<compile_context>
chip_gen: v7x
topology: tpu7x:2x2x1
jax: 0.10.2.dev20260603
libtpu: 0.0.44.dev20260713+nightly
codegen_flags: <defaults>
</compile_context>

<pallas_src>
import functools

import jax
import jax.numpy as jnp
from jax import lax
from jax.experimental import pallas as pl
from jax.experimental.pallas import tpu as pltpu
from jax.experimental.pallas import tpu_sc as plsc

_TOKENS = 32768
_HIDDEN = 768
_E = 64
_K = 8
_NC = 2
_NS = 16
_NW = _NC * _NS
_RPW = _TOKENS // _NW
_MM_BLOCK = 2048

_CE19 = [(0, 1), (2, 3), (4, 5), (6, 7), (0, 2), (1, 3), (4, 6), (5, 7),
         (1, 2), (5, 6), (0, 4), (3, 7), (1, 5), (2, 6), (1, 4), (3, 6),
         (2, 4), (3, 5), (3, 4)]


def _keys_body(x_ref, w_ref, b_ref, out_ref):
    x = x_ref[...]
    w = w_ref[...]
    lg = lax.dot_general(
        w, x, (((1,), (1,)), ((), ())), preferred_element_type=jnp.float32
    )
    lg = lg + b_ref[...]
    bits = lax.bitcast_convert_type(lg, jnp.int32)
    flip = lax.shift_right_arithmetic(bits, 31) | jnp.int32(-0x80000000)
    t = lax.bitcast_convert_type(bits ^ flip, jnp.uint32)
    eid = lax.broadcasted_iota(jnp.uint32, lg.shape, 0)
    out_ref[...] = (t & jnp.uint32(0xFFFFFFC0)) | eid


def _router_keys(x, w, b):
    grid = (_TOKENS // _MM_BLOCK,)
    return pl.pallas_call(
        _keys_body,
        grid=grid,
        in_specs=[
            pl.BlockSpec((_MM_BLOCK, _HIDDEN), lambda i: (i, 0)),
            pl.BlockSpec((_E, _HIDDEN), lambda i: (0, 0)),
            pl.BlockSpec((_E, 1), lambda i: (0, 0)),
        ],
        out_specs=pl.BlockSpec((_E, _MM_BLOCK), lambda i: (0, i)),
        out_shape=jax.ShapeDtypeStruct((_E, _TOKENS), jnp.uint32),
    )(x, w, b.reshape(_E, 1))


def _ce(x, i, j):
    hi = jnp.maximum(x[i], x[j])
    lo = jnp.minimum(x[i], x[j])
    x[i] = hi
    x[j] = lo


def _sort8(x):
    for i, j in _CE19:
        _ce(x, i, j)
    return x


def _merge8(a, b):
    c = [jnp.maximum(a[i], b[7 - i]) for i in range(8)]
    for d in (4, 2, 1):
        for i in range(8):
            if (i % (2 * d)) < d:
                _ce(c, i, i + d)
    return c


def _topk_body(keys_hbm, scores_hbm, idx_hbm, kv, sv, iv):
    wid = lax.axis_index("s") * _NC + lax.axis_index("c")
    tok0 = wid * _RPW
    pltpu.sync_copy(keys_hbm.at[:, pl.ds(tok0, _RPW)], kv)

    lane = lax.iota(jnp.int32, 16)
    lane8 = lane * _K

    def group(g, _):
        col = g * 16

        def blk(b):
            return _sort8([kv[8 * b + e, pl.ds(col, 16)] for e in range(8)])

        mA = _merge8(_merge8(blk(0), blk(1)), _merge8(blk(2), blk(3)))
        mB = _merge8(_merge8(blk(4), blk(5)), _merge8(blk(6), blk(7)))
        top = _merge8(mA, mB)

        eids, vals = [], []
        for r in range(8):
            e = top[r] & jnp.uint32(63)
            t = plsc.bitcast(top[r] ^ e, jnp.int32)
            flip = (lax.shift_right_arithmetic(t, 31) ^ jnp.int32(-1)) | (
                jnp.int32(-0x80000000)
            )
            eids.append(plsc.bitcast(e, jnp.int32))
            vals.append(plsc.bitcast(t ^ flip, jnp.float32))
        exps = [jnp.exp(v - vals[0]) for v in vals]
        s = exps[0]
        for r in range(1, 8):
            s = s + exps[r]
        inv = 1.0 / s
        base = lane8 + g * (16 * _K)
        for r in range(8):
            addr = base + r
            plsc.store_scatter(sv, [addr], exps[r] * inv)
            plsc.store_scatter(iv, [addr], eids[r])
        return ()

    lax.fori_loop(0, _RPW // 16, group, (), unroll=1)

    obase = wid * (_RPW * _K)
    pltpu.sync_copy(sv, scores_hbm.at[pl.ds(obase, _RPW * _K)])
    pltpu.sync_copy(iv, idx_hbm.at[pl.ds(obase, _RPW * _K)])


def _topk_softmax(keys):
    mesh = plsc.VectorSubcoreMesh(
        core_axis_name="c", subcore_axis_name="s", num_cores=_NC,
        num_subcores=_NS,
    )
    f = functools.partial(
        pl.kernel,
        out_type=(
            jax.ShapeDtypeStruct((_TOKENS * _K,), jnp.float32),
            jax.ShapeDtypeStruct((_TOKENS * _K,), jnp.int32),
        ),
        mesh=mesh,
        compiler_params=pltpu.CompilerParams(needs_layout_passes=False),
        scratch_types=[
            pltpu.VMEM((_E, _RPW), jnp.uint32),
            pltpu.VMEM((_RPW * _K,), jnp.float32),
            pltpu.VMEM((_RPW * _K,), jnp.int32),
        ],
    )(_topk_body)
    return f(keys)


def kernel(hidden_states, weight, bias):
    x = hidden_states.reshape(-1, _HIDDEN)
    keys = _router_keys(x, weight, bias)
    scores, idx = _topk_softmax(keys)
    return scores.reshape(_TOKENS, _K), idx.reshape(_TOKENS, _K)

# --- scband reference (transcript-rebuilt; emitter-appended) ---
"""Pipeline reference for scband-gpt-oss-top-krouter-57354993271422 (READ-ONLY COPY).

The authoritative reference and input builder live on the scoring server;
editing this copy changes nothing except your own understanding.
"""

import jax, jax.numpy as jnp
import numpy as np

TOP_K = 8
NUM_EXPERTS = 64
HIDDEN = 768
TOKENS = 32768

def setup_inputs(seed: int = 0) -> dict:
    key = jax.random.key(seed)
    k1, k2, k3 = jax.random.split(key, 3)
    hidden_states = jax.random.normal(k1, (TOKENS, HIDDEN), dtype=jnp.float32)
    weight = jax.random.normal(k2, (NUM_EXPERTS, HIDDEN), dtype=jnp.float32) * 0.02
    bias = jax.random.normal(k3, (NUM_EXPERTS,), dtype=jnp.float32) * 0.02
    return {"hidden_states": hidden_states, "weight": weight, "bias": bias}

def reference(hidden_states, weight, bias):
    # hidden_states.reshape(-1, hidden_dim)
    x = hidden_states.reshape(-1, weight.shape[1])
    # F.linear(x, weight, bias) == x @ weight.T + bias
    router_logits = x @ weight.T + bias
    # torch.topk(router_logits, top_k, dim=-1)
    router_top_value, router_indices = jax.lax.top_k(router_logits, TOP_K)
    # softmax over the top-k values (dim=1)
    router_scores = jax.nn.softmax(router_top_value, axis=1)
    return (router_scores, router_indices)

if __name__ == "__main__":
    import jax
    _d = setup_inputs()
    print(jax.jit(kernel)(*tuple(_d.values())))

</pallas_src>

<mosaic_0001>
#map = affine_map<(d0, d1) -> (0, 0)>
#map1 = affine_map<(d0, d1) -> (0)>
module attributes {stable_mosaic.version = 14 : i64} {
  func.func @_topk_body(%arg0: i32, %arg1: i32, %arg2: memref<64x32768xi32, #tpu.memory_space<hbm>>, %arg3: memref<262144xf32, #tpu.memory_space<hbm>>, %arg4: memref<262144xi32, #tpu.memory_space<hbm>>, %arg5: memref<64x1024xi32, #tpu.memory_space<vmem>>, %arg6: memref<8192xf32, #tpu.memory_space<vmem>>, %arg7: memref<8192xi32, #tpu.memory_space<vmem>>) attributes {dimension_semantics = [#tpu.dimension_semantics<core_parallel>, #tpu.dimension_semantics<subcore_parallel>], iteration_bounds = array<i64: 2, 16>, scalar_prefetch = 0 : i64, scratch_operands = 3 : i64, tpu.core_type = #tpu.core_type<sc_vector_subcore>, window_params = [{transform_indices = #map}, {transform_indices = #map1}, {transform_indices = #map1}]} {
    %mul3A = arith.constant 2 : i32
    %mul3A_0 = arith.muli %arg1, %mul3A : i32
    %add3A = arith.addi %mul3A_0, %arg0 : i32
    %mul3A_1 = arith.constant 1024 : i32
    %mul3A_2 = arith.muli %add3A, %mul3A_1 : i32
    "tpu.region"() ({
      %run_scoped3A = tpu.sem_alloc : memref<!tpu.dma_semaphore, #tpu.memory_space<semaphore_mem>>
      %dma_start3A = arith.constant 0 : i32
      %dma_start3A_12 = tpu.memref_slice %arg2[%dma_start3A, %mul3A_2] : memref<64x32768xi32, #tpu.memory_space<hbm>> -> memref<64x1024xi32, #tpu.memory_space<hbm>>
      %dma_start3A_13 = arith.constant 0 : i32
      %dma_start3A_14 = tpu.memref_slice %arg2[%dma_start3A_13, %mul3A_2] : memref<64x32768xi32, #tpu.memory_space<hbm>> -> memref<64x1024xi32, #tpu.memory_space<hbm>>
      tpu.enqueue_dma source(%dma_start3A_14 : memref<64x1024xi32, #tpu.memory_space<hbm>>) target(%arg5 : memref<64x1024xi32, #tpu.memory_space<vmem>>) target_semaphore(%run_scoped3A : memref<!tpu.dma_semaphore, #tpu.memory_space<semaphore_mem>>)
      %dma_wait3A = arith.constant 0 : i32
      %dma_wait3A_15 = tpu.memref_slice %arg2[%dma_wait3A, %mul3A_2] : memref<64x32768xi32, #tpu.memory_space<hbm>> -> memref<64x1024xi32, #tpu.memory_space<hbm>>
      %dma_wait3A_16 = arith.constant 0 : i32
      %dma_wait3A_17 = tpu.memref_slice %arg2[%dma_wait3A_16, %mul3A_2] : memref<64x32768xi32, #tpu.memory_space<hbm>> -> memref<64x1024xi32, #tpu.memory_space<hbm>>
      tpu.wait_dma2 semaphore(%run_scoped3A : memref<!tpu.dma_semaphore, #tpu.memory_space<semaphore_mem>>) src(%dma_wait3A_17 : memref<64x1024xi32, #tpu.memory_space<hbm>>) dst(%arg5 : memref<64x1024xi32, #tpu.memory_space<vmem>>)
      tpu.yield
    }) : () -> ()
    %iota3A = tpu.iota {dimensions = array<i32: 0>} : vector<16xi32>
    %mul3A_3 = arith.constant 8 : i32
    %mul3A_4 = vector.broadcast %mul3A_3 : i32 to vector<16xi32>
    %mul3A_5 = arith.muli %iota3A, %mul3A_4 : vector<16xi32>
    %scan3A = arith.constant 0 : i32
    %scan3A_6 = arith.constant 64 : i32
    %scan3A_7 = arith.addi %scan3A, %scan3A_6 : i32
    %scan3A_8 = arith.constant 1 : i32
    scf.for %scan3A_12 = %scan3A to %scan3A_7 step %scan3A_8  : i32 {
      %mul3A_13 = arith.constant 16 : i32
      %mul3A_14 = arith.muli %scan3A_12, %mul3A_13 : i32
      %get3A = arith.constant 0 : i32
      %get3A_15 = arith.index_cast %get3A : i32 to index
      %get3A_16 = arith.index_cast %mul3A_14 : i32 to index
      %get3A_17 = tpu.vector_load %arg5[%get3A_15, %get3A_16] {strides = array<i32>} : memref<64x1024xi32, #tpu.memory_space<vmem>>, vector<16xi32>,
      %get3A_18 = arith.constant 1 : i32
      %get3A_19 = arith.index_cast %get3A_18 : i32 to index
      %get3A_20 = arith.index_cast %mul3A_14 : i32 to index
      %get3A_21 = tpu.vector_load %arg5[%get3A_19, %get3A_20] {strides = array<i32>} : memref<64x1024xi32, #tpu.memory_space<vmem>>, vector<16xi32>,
      %get3A_22 = arith.constant 2 : i32
      %get3A_23 = arith.index_cast %get3A_22 : i32 to index
      %get3A_24 = arith.index_cast %mul3A_14 : i32 to index
      %get3A_25 = tpu.vector_load %arg5[%get3A_23, %get3A_24] {strides = array<i32>} : memref<64x1024xi32, #tpu.memory_space<vmem>>, vector<16xi32>,
      %get3A_26 = arith.constant 3 : i32
      %get3A_27 = arith.index_cast %get3A_26 : i32 to index
      %get3A_28 = arith.index_cast %mul3A_14 : i32 to index
      %get3A_29 = tpu.vector_load %arg5[%get3A_27, %get3A_28] {strides = array<i32>} : memref<64x1024xi32, #tpu.memory_space<vmem>>, vector<16xi32>,
      %get3A_30 = arith.constant 4 : i32
      %get3A_31 = arith.index_cast %get3A_30 : i32 to index
      %get3A_32 = arith.index_cast %mul3A_14 : i32 to index
      %get3A_33 = tpu.vector_load %arg5[%get3A_31, %get3A_32] {strides = array<i32>} : memref<64x1024xi32, #tpu.memory_space<vmem>>, vector<16xi32>,
      %get3A_34 = arith.constant 5 : i32
      %get3A_35 = arith.index_cast %get3A_34 : i32 to index
      %get3A_36 = arith.index_cast %mul3A_14 : i32 to index
      %get3A_37 = tpu.vector_load %arg5[%get3A_35, %get3A_36] {strides = array<i32>} : memref<64x1024xi32, #tpu.memory_space<vmem>>, vector<16xi32>,
      %get3A_38 = arith.constant 6 : i32
      %get3A_39 = arith.index_cast %get3A_38 : i32 to index
      %get3A_40 = arith.index_cast %mul3A_14 : i32 to index
      %get3A_41 = tpu.vector_load %arg5[%get3A_39, %get3A_40] {strides = array<i32>} : memref<64x1024xi32, #tpu.memory_space<vmem>>, vector<16xi32>,
      %get3A_42 = arith.constant 7 : i32
      %get3A_43 = arith.index_cast %get3A_42 : i32 to index
      %get3A_44 = arith.index_cast %mul3A_14 : i32 to index
      %get3A_45 = tpu.vector_load %arg5[%get3A_43, %get3A_44] {strides = array<i32>} : memref<64x1024xi32, #tpu.memory_space<vmem>>, vector<16xi32>,
      %max3A = arith.maxui %get3A_17, %get3A_21 : vector<16xi32>
      %min3A = arith.minui %get3A_17, %get3A_21 : vector<16xi32>
      %max3A_46 = arith.maxui %get3A_25, %get3A_29 : vector<16xi32>
      %min3A_47 = arith.minui %get3A_25, %get3A_29 : vector<16xi32>
      %max3A_48 = arith.maxui %get3A_33, %get3A_37 : vector<16xi32>
      %min3A_49 = arith.minui %get3A_33, %get3A_37 : vector<16xi32>
      %max3A_50 = arith.maxui %get3A_41, %get3A_45 : vector<16xi32>
      %min3A_51 = arith.minui %get3A_41, %get3A_45 : vector<16xi32>
      %max3A_52 = arith.maxui %max3A, %max3A_46 : vector<16xi32>
      %min3A_53 = arith.minui %max3A, %max3A_46 : vector<16xi32>
      %max3A_54 = arith.maxui %min3A, %min3A_47 : vector<16xi32>
      %min3A_55 = arith.minui %min3A, %min3A_47 : vector<16xi32>
      %max3A_56 = arith.maxui %max3A_48, %max3A_50 : vector<16xi32>
      %min3A_57 = arith.minui %max3A_48, %max3A_50 : vector<16xi32>
      %max3A_58 = arith.maxui %min3A_49, %min3A_51 : vector<16xi32>
      %min3A_59 = arith.minui %min3A_49, %min3A_51 : vector<16xi32>
      %max3A_60 = arith.maxui %max3A_54, %min3A_53 : vector<16xi32>
      %min3A_61 = arith.minui %max3A_54, %min3A_53 : vector<16xi32>
      %max3A_62 = arith.maxui %max3A_58, %min3A_57 : vector<16xi32>
      %min3A_63 = arith.minui %max3A_58, %min3A_57 : vector<16xi32>
      %max3A_64 = arith.maxui %max3A_52, %max3A_56 : vector<16xi32>
      %min3A_65 = arith.minui %max3A_52, %max3A_56 : vector<16xi32>
      %max3A_66 = arith.maxui %min3A_55, %min3A_59 : vector<16xi32>
      %min3A_67 = arith.minui %min3A_55, %min3A_59 : vector<16xi32>
      %max3A_68 = arith.maxui %max3A_60, %max3A_62 : vector<16xi32>
      %min3A_69 = arith.minui %max3A_60, %max3A_62 : vector<16xi32>
      %max3A_70 = arith.maxui %min3A_61, %min3A_63 : vector<16xi32>
      %min3A_71 = arith.minui %min3A_61, %min3A_63 : vector<16xi32>
      %max3A_72 = arith.maxui %max3A_68, %min3A_65 : vector<16xi32>
      %min3A_73 = arith.minui %max3A_68, %min3A_65 : vector<16xi32>
      %max3A_74 = arith.maxui %max3A_66, %min3A_71 : vector<16xi32>
      %min3A_75 = arith.minui %max3A_66, %min3A_71 : vector<16xi32>
      %max3A_76 = arith.maxui %max3A_70, %min3A_73 : vector<16xi32>
      %min3A_77 = arith.minui %max3A_70, %min3A_73 : vector<16xi32>
      %max3A_78 = arith.maxui %max3A_74, %min3A_69 : vector<16xi32>
      %min3A_79 = arith.minui %max3A_74, %min3A_69 : vector<16xi32>
      %max3A_80 = arith.maxui %max3A_78, %min3A_77 : vector<16xi32>
      %min3A_81 = arith.minui %max3A_78, %min3A_77 : vector<16xi32>
      %get3A_82 = arith.constant 8 : i32
      %get3A_83 = arith.index_cast %get3A_82 : i32 to index
      %get3A_84 = arith.index_cast %mul3A_14 : i32 to index
      %get3A_85 = tpu.vector_load %arg5[%get3A_83, %get3A_84] {strides = array<i32>} : memref<64x1024xi32, #tpu.memory_space<vmem>>, vector<16xi32>,
      %get3A_86 = arith.constant 9 : i32
      %get3A_87 = arith.index_cast %get3A_86 : i32 to index
      %get3A_88 = arith.index_cast %mul3A_14 : i32 to index
      %get3A_89 = tpu.vector_load %arg5[%get3A_87, %get3A_88] {strides = array<i32>} : memref<64x1024xi32, #tpu.memory_space<vmem>>, vector<16xi32>,
      %get3A_90 = arith.constant 10 : i32
      %get3A_91 = arith.index_cast %get3A_90 : i32 to index
      %get3A_92 = arith.index_cast %mul3A_14 : i32 to index
      %get3A_93 = tpu.vector_load %arg5[%get3A_91, %get3A_92] {strides = array<i32>} : memref<64x1024xi32, #tpu.memory_space<vmem>>, vector<16xi32>,
      %get3A_94 = arith.constant 11 : i32
      %get3A_95 = arith.index_cast %get3A_94 : i32 to index
      %get3A_96 = arith.index_cast %mul3A_14 : i32 to index
      %get3A_97 = tpu.vector_load %arg5[%get3A_95, %get3A_96] {strides = array<i32>} : memref<64x1024xi32, #tpu.memory_space<vmem>>, vector<16xi32>,
      %get3A_98 = arith.constant 12 : i32
      %get3A_99 = arith.index_cast %get3A_98 : i32 to index
      %get3A_100 = arith.index_cast %mul3A_14 : i32 to index
      %get3A_101 = tpu.vector_load %arg5[%get3A_99, %get3A_100] {strides = array<i32>} : memref<64x1024xi32, #tpu.memory_space<vmem>>, vector<16xi32>,
      %get3A_102 = arith.constant 13 : i32
      %get3A_103 = arith.index_cast %get3A_102 : i32 to index
      %get3A_104 = arith.index_cast %mul3A_14 : i32 to index
      %get3A_105 = tpu.vector_load %arg5[%get3A_103, %get3A_104] {strides = array<i32>} : memref<64x1024xi32, #tpu.memory_space<vmem>>, vector<16xi32>,
      %get3A_106 = arith.constant 14 : i32
      %get3A_107 = arith.index_cast %get3A_106 : i32 to index
      %get3A_108 = arith.index_cast %mul3A_14 : i32 to index
      %get3A_109 = tpu.vector_load %arg5[%get3A_107, %get3A_108] {strides = array<i32>} : memref<64x1024xi32, #tpu.memory_space<vmem>>, vector<16xi32>,
      %get3A_110 = arith.constant 15 : i32
      %get3A_111 = arith.index_cast %get3A_110 : i32 to index
      %get3A_112 = arith.index_cast %mul3A_14 : i32 to index
      %get3A_113 = tpu.vector_load %arg5[%get3A_111, %get3A_112] {strides = array<i32>} : memref<64x1024xi32, #tpu.memory_space<vmem>>, vector<16xi32>,
      %max3A_114 = arith.maxui %get3A_85, %get3A_89 : vector<16xi32>
      %min3A_115 = arith.minui %get3A_85, %get3A_89 : vector<16xi32>
      %max3A_116 = arith.maxui %get3A_93, %get3A_97 : vector<16xi32>
      %min3A_117 = arith.minui %get3A_93, %get3A_97 : vector<16xi32>
      %max3A_118 = arith.maxui %get3A_101, %get3A_105 : vector<16xi32>
      %min3A_119 = arith.minui %get3A_101, %get3A_105 : vector<16xi32>
      %max3A_120 = arith.maxui %get3A_109, %get3A_113 : vector<16xi32>
      %min3A_121 = arith.minui %get3A_109, %get3A_113 : vector<16xi32>
      %max3A_122 = arith.maxui %max3A_114, %max3A_116 : vector<16xi32>
      %min3A_123 = arith.minui %max3A_114, %max3A_116 : vector<16xi32>
      %max3A_124 = arith.maxui %min3A_115, %min3A_117 : vector<16xi32>
      %min3A_125 = arith.minui %min3A_115, %min3A_117 : vector<16xi32>
      %max3A_126 = arith.maxui %max3A_118, %max3A_120 : vector<16xi32>
      %min3A_127 = arith.minui %max3A_118, %max3A_120 : vector<16xi32>
      %max3A_128 = arith.maxui %min3A_119, %min3A_121 : vector<16xi32>
      %min3A_129 = arith.minui %min3A_119, %min3A_121 : vector<16xi32>
      %max3A_130 = arith.maxui %max3A_124, %min3A_123 : vector<16xi32>
      %min3A_131 = arith.minui %max3A_124, %min3A_123 : vector<16xi32>
      %max3A_132 = arith.maxui %max3A_128, %min3A_127 : vector<16xi32>
      %min3A_133 = arith.minui %max3A_128, %min3A_127 : vector<16xi32>
      %max3A_134 = arith.maxui %max3A_122, %max3A_126 : vector<16xi32>
      %min3A_135 = arith.minui %max3A_122, %max3A_126 : vector<16xi32>
      %max3A_136 = arith.maxui %min3A_125, %min3A_129 : vector<16xi32>
      %min3A_137 = arith.minui %min3A_125, %min3A_129 : vector<16xi32>
      %max3A_138 = arith.maxui %max3A_130, %max3A_132 : vector<16xi32>
      %min3A_139 = arith.minui %max3A_130, %max3A_132 : vector<16xi32>
      %max3A_140 = arith.maxui %min3A_131, %min3A_133 : vector<16xi32>
      %min3A_141 = arith.minui %min3A_131, %min3A_133 : vector<16xi32>
      %max3A_142 = arith.maxui %max3A_138, %min3A_135 : vector<16xi32>
      %min3A_143 = arith.minui %max3A_138, %min3A_135 : vector<16xi32>
      %max3A_144 = arith.maxui %max3A_136, %min3A_141 : vector<16xi32>
      %min3A_145 = arith.minui %max3A_136, %min3A_141 : vector<16xi32>
      %max3A_146 = arith.maxui %max3A_140, %min3A_143 : vector<16xi32>
      %min3A_147 = arith.minui %max3A_140, %min3A_143 : vector<16xi32>
      %max3A_148 = arith.maxui %max3A_144, %min3A_139 : vector<16xi32>
      %min3A_149 = arith.minui %max3A_144, %min3A_139 : vector<16xi32>
      %max3A_150 = arith.maxui %max3A_148, %min3A_147 : vector<16xi32>
      %min3A_151 = arith.minui %max3A_148, %min3A_147 : vector<16xi32>
      %max3A_152 = arith.maxui %max3A_64, %min3A_137 : vector<16xi32>
      %max3A_153 = arith.maxui %max3A_72, %min3A_145 : vector<16xi32>
      %max3A_154 = arith.maxui %max3A_76, %min3A_149 : vector<16xi32>
      %max3A_155 = arith.maxui %max3A_80, %min3A_151 : vector<16xi32>
      %max3A_156 = arith.maxui %min3A_81, %max3A_150 : vector<16xi32>
      %max3A_157 = arith.maxui %min3A_79, %max3A_146 : vector<16xi32>
      %max3A_158 = arith.maxui %min3A_75, %max3A_142 : vector<16xi32>
      %max3A_159 = arith.maxui %min3A_67, %max3A_134 : vector<16xi32>
      %max3A_160 = arith.maxui %max3A_152, %max3A_156 : vector<16xi32>
      %min3A_161 = arith.minui %max3A_152, %max3A_156 : vector<16xi32>
      %max3A_162 = arith.maxui %max3A_153, %max3A_157 : vector<16xi32>
      %min3A_163 = arith.minui %max3A_153, %max3A_157 : vector<16xi32>
      %max3A_164 = arith.maxui %max3A_154, %max3A_158 : vector<16xi32>
      %min3A_165 = arith.minui %max3A_154, %max3A_158 : vector<16xi32>
      %max3A_166 = arith.maxui %max3A_155, %max3A_159 : vector<16xi32>
      %min3A_167 = arith.minui %max3A_155, %max3A_159 : vector<16xi32>
      %max3A_168 = arith.maxui %max3A_160, %max3A_164 : vector<16xi32>
      %min3A_169 = arith.minui %max3A_160, %max3A_164 : vector<16xi32>
      %max3A_170 = arith.maxui %max3A_162, %max3A_166 : vector<16xi32>
      %min3A_171 = arith.minui %max3A_162, %max3A_166 : vector<16xi32>
      %max3A_172 = arith.maxui %min3A_161, %min3A_165 : vector<16xi32>
      %min3A_173 = arith.minui %min3A_161, %min3A_165 : vector<16xi32>
      %max3A_174 = arith.maxui %min3A_163, %min3A_167 : vector<16xi32>
      %min3A_175 = arith.minui %min3A_163, %min3A_167 : vector<16xi32>
      %max3A_176 = arith.maxui %max3A_168, %max3A_170 : vector<16xi32>
      %min3A_177 = arith.minui %max3A_168, %max3A_170 : vector<16xi32>
      %max3A_178 = arith.maxui %min3A_169, %min3A_171 : vector<16xi32>
      %min3A_179 = arith.minui %min3A_169, %min3A_171 : vector<16xi32>
      %max3A_180 = arith.maxui %max3A_172, %max3A_174 : vector<16xi32>
      %min3A_181 = arith.minui %max3A_172, %max3A_174 : vector<16xi32>
      %max3A_182 = arith.maxui %min3A_173, %min3A_175 : vector<16xi32>
      %min3A_183 = arith.minui %min3A_173, %min3A_175 : vector<16xi32>
      %get3A_184 = arith.constant 16 : i32
      %get3A_185 = arith.index_cast %get3A_184 : i32 to index
      %get3A_186 = arith.index_cast %mul3A_14 : i32 to index
      %get3A_187 = tpu.vector_load %arg5[%get3A_185, %get3A_186] {strides = array<i32>} : memref<64x1024xi32, #tpu.memory_space<vmem>>, vector<16xi32>,
      %get3A_188 = arith.constant 17 : i32
      %get3A_189 = arith.index_cast %get3A_188 : i32 to index
      %get3A_190 = arith.index_cast %mul3A_14 : i32 to index
      %get3A_191 = tpu.vector_load %arg5[%get3A_189, %get3A_190] {strides = array<i32>} : memref<64x1024xi32, #tpu.memory_space<vmem>>, vector<16xi32>,
      %get3A_192 = arith.constant 18 : i32
      %get3A_193 = arith.index_cast %get3A_192 : i32 to index
      %get3A_194 = arith.index_cast %mul3A_14 : i32 to index
      %get3A_195 = tpu.vector_load %arg5[%get3A_193, %get3A_194] {strides = array<i32>} : memref<64x1024xi32, #tpu.memory_space<vmem>>, vector<16xi32>,
      %get3A_196 = arith.constant 19 : i32
      %get3A_197 = arith.index_cast %get3A_196 : i32 to index
      %get3A_198 = arith.index_cast %mul3A_14 : i32 to index
      %get3A_199 = tpu.vector_load %arg5[%get3A_197, %get3A_198] {strides = array<i32>} : memref<64x1024xi32, #tpu.memory_space<vmem>>, vector<16xi32>,
      %get3A_200 = arith.constant 20 : i32
      %get3A_201 = arith.index_cast %get3A_200 : i32 to index
      %get3A_202 = arith.index_cast %mul3A_14 : i32 to index
      %get3A_203 = tpu.vector_load %arg5[%get3A_201, %get3A_202] {strides = array<i32>} : memref<64x1024xi32, #tpu.memory_space<vmem>>, vector<16xi32>,
      %get3A_204 = arith.constant 21 : i32
      %get3A_205 = arith.index_cast %get3A_204 : i32 to index
      %get3A_206 = arith.index_cast %mul3A_14 : i32 to index
      %get3A_207 = tpu.vector_load %arg5[%get3A_205, %get3A_206] {strides = array<i32>} : memref<64x1024xi32, #tpu.memory_space<vmem>>, vector<16xi32>,
      %get3A_208 = arith.constant 22 : i32
      %get3A_209 = arith.index_cast %get3A_208 : i32 to index
      %get3A_210 = arith.index_cast %mul3A_14 : i32 to index
      %get3A_211 = tpu.vector_load %arg5[%get3A_209, %get3A_210] {strides = array<i32>} : memref<64x1024xi32, #tpu.memory_space<vmem>>, vector<16xi32>,
      %get3A_212 = arith.constant 23 : i32
      %get3A_213 = arith.index_cast %get3A_212 : i32 to index
      %get3A_214 = arith.index_cast %mul3A_14 : i32 to index
      %get3A_215 = tpu.vector_load %arg5[%get3A_213, %get3A_214] {strides = array<i32>} : memref<64x1024xi32, #tpu.memory_space<vmem>>, vector<16xi32>,
      %max3A_216 = arith.maxui %get3A_187, %get3A_191 : vector<16xi32>
      %min3A_217 = arith.minui %get3A_187, %get3A_191 : vector<16xi32>
      %max3A_218 = arith.maxui %get3A_195, %get3A_199 : vector<16xi32>
      %min3A_219 = arith.minui %get3A_195, %get3A_199 : vector<16xi32>
      %max3A_220 = arith.maxui %get3A_203, %get3A_207 : vector<16xi32>
      %min3A_221 = arith.minui %get3A_203, %get3A_207 : vector<16xi32>
      %max3A_222 = arith.maxui %get3A_211, %get3A_215 : vector<16xi32>
      %min3A_223 = arith.minui %get3A_211, %get3A_215 : vector<16xi32>
      %max3A_224 = arith.maxui %max3A_216, %max3A_218 : vector<16xi32>
      %min3A_225 = arith.minui %max3A_216, %max3A_218 : vector<16xi32>
      %max3A_226 = arith.maxui %min3A_217, %min3A_219 : vector<16xi32>
      %min3A_227 = arith.minui %min3A_217, %min3A_219 : vector<16xi32>
      %max3A_228 = arith.maxui %max3A_220, %max3A_222 : vector<16xi32>
      %min3A_229 = arith.minui %max3A_220, %max3A_222 : vector<16xi32>
      %max3A_230 = arith.maxui %min3A_221, %min3A_223 : vector<16xi32>
      %min3A_231 = arith.minui %min3A_221, %min3A_223 : vector<16xi32>
      %max3A_232 = arith.maxui %max3A_226, %min3A_225 : vector<16xi32>
      %min3A_233 = arith.minui %max3A_226, %min3A_225 : vector<16xi32>
      %max3A_234 = arith.maxui %max3A_230, %min3A_229 : vector<16xi32>
      %min3A_235 = arith.minui %max3A_230, %min3A_229 : vector<16xi32>
      %max3A_236 = arith.maxui %max3A_224, %max3A_228 : vector<16xi32>
      %min3A_237 = arith.minui %max3A_224, %max3A_228 : vector<16xi32>
      %max3A_238 = arith.maxui %min3A_227, %min3A_231 : vector<16xi32>
      %min3A_239 = arith.minui %min3A_227, %min3A_231 : vector<16xi32>
      %max3A_240 = arith.maxui %max3A_232, %max3A_234 : vector<16xi32>
      %min3A_241 = arith.minui %max3A_232, %max3A_234 : vector<16xi32>
      %max3A_242 = arith.maxui %min3A_233, %min3A_235 : vector<16xi32>
      %min3A_243 = arith.minui %min3A_233, %min3A_235 : vector<16xi32>
      %max3A_244 = arith.maxui %max3A_240, %min3A_237 : vector<16xi32>
      %min3A_245 = arith.minui %max3A_240, %min3A_237 : vector<16xi32>
      %max3A_246 = arith.maxui %max3A_238, %min3A_243 : vector<16xi32>
      %min3A_247 = arith.minui %max3A_238, %min3A_243 : vector<16xi32>
      %max3A_248 = arith.maxui %max3A_242, %min3A_245 : vector<16xi32>
      %min3A_249 = arith.minui %max3A_242, %min3A_245 : vector<16xi32>
      %max3A_250 = arith.maxui %max3A_246, %min3A_241 : vector<16xi32>
      %min3A_251 = arith.minui %max3A_246, %min3A_241 : vector<16xi32>
      %max3A_252 = arith.maxui %max3A_250, %min3A_249 : vector<16xi32>
      %min3A_253 = arith.minui %max3A_250, %min3A_249 : vector<16xi32>
      %get3A_254 = arith.constant 24 : i32
      %get3A_255 = arith.index_cast %get3A_254 : i32 to index
      %get3A_256 = arith.index_cast %mul3A_14 : i32 to index
      %get3A_257 = tpu.vector_load %arg5[%get3A_255, %get3A_256] {strides = array<i32>} : memref<64x1024xi32, #tpu.memory_space<vmem>>, vector<16xi32>,
      %get3A_258 = arith.constant 25 : i32
      %get3A_259 = arith.index_cast %get3A_258 : i32 to index
      %get3A_260 = arith.index_cast %mul3A_14 : i32 to index
      %get3A_261 = tpu.vector_load %arg5[%get3A_259, %get3A_260] {strides = array<i32>} : memref<64x1024xi32, #tpu.memory_space<vmem>>, vector<16xi32>,
      %get3A_262 = arith.constant 26 : i32
      %get3A_263 = arith.index_cast %get3A_262 : i32 to index
      %get3A_264 = arith.index_cast %mul3A_14 : i32 to index
      %get3A_265 = tpu.vector_load %arg5[%get3A_263, %get3A_264] {strides = array<i32>} : memref<64x1024xi32, #tpu.memory_space<vmem>>, vector<16xi32>,
      %get3A_266 = arith.constant 27 : i32
      %get3A_267 = arith.index_cast %get3A_266 : i32 to index
      %get3A_268 = arith.index_cast %mul3A_14 : i32 to index
      %get3A_269 = tpu.vector_load %arg5[%get3A_267, %get3A_268] {strides = array<i32>} : memref<64x1024xi32, #tpu.memory_space<vmem>>, vector<16xi32>,
      %get3A_270 = arith.constant 28 : i32
      %get3A_271 = arith.index_cast %get3A_270 : i32 to index
      %get3A_272 = arith.index_cast %mul3A_14 : i32 to index
      %get3A_273 = tpu.vector_load %arg5[%get3A_271, %get3A_272] {strides = array<i32>} : memref<64x1024xi32, #tpu.memory_space<vmem>>, vector<16xi32>,
      %get3A_274 = arith.constant 29 : i32
      %get3A_275 = arith.index_cast %get3A_274 : i32 to index
      %get3A_276 = arith.index_cast %mul3A_14 : i32 to index
      %get3A_277 = tpu.vector_load %arg5[%get3A_275, %get3A_276] {strides = array<i32>} : memref<64x1024xi32, #tpu.memory_space<vmem>>, vector<16xi32>,
      %get3A_278 = arith.constant 30 : i32
      %get3A_279 = arith.index_cast %get3A_278 : i32 to index
      %get3A_280 = arith.index_cast %mul3A_14 : i32 to index
      %get3A_281 = tpu.vector_load %arg5[%get3A_279, %get3A_280] {strides = array<i32>} : memref<64x1024xi32, #tpu.memory_space<vmem>>, vector<16xi32>,
      %get3A_282 = arith.constant 31 : i32
      %get3A_283 = arith.index_cast %get3A_282 : i32 to index
      %get3A_284 = arith.index_cast %mul3A_14 : i32 to index
      %get3A_285 = tpu.vector_load %arg5[%get3A_283, %get3A_284] {strides = array<i32>} : memref<64x1024xi32, #tpu.memory_space<vmem>>, vector<16xi32>,
      %max3A_286 = arith.maxui %get3A_257, %get3A_261 : vector<16xi32>
      %min3A_287 = arith.minui %get3A_257, %get3A_261 : vector<16xi32>
      %max3A_288 = arith.maxui %get3A_265, %get3A_269 : vector<16xi32>
      %min3A_289 = arith.minui %get3A_265, %get3A_269 : vector<16xi32>
      %max3A_290 = arith.maxui %get3A_273, %get3A_277 : vector<16xi32>
      %min3A_291 = arith.minui %get3A_273, %get3A_277 : vector<16xi32>
      %max3A_292 = arith.maxui %get3A_281, %get3A_285 : vector<16xi32>
      %min3A_293 = arith.minui %get3A_281, %get3A_285 : vector<16xi32>
      %max3A_294 = arith.maxui %max3A_286, %max3A_288 : vector<16xi32>
      %min3A_295 = arith.minui %max3A_286, %max3A_288 : vector<16xi32>
      %max3A_296 = arith.maxui %min3A_287, %min3A_289 : vector<16xi32>
      %min3A_297 = arith.minui %min3A_287, %min3A_289 : vector<16xi32>
      %max3A_298 = arith.maxui %max3A_290, %max3A_292 : vector<16xi32>
      %min3A_299 = arith.minui %max3A_290, %max3A_292 : vector<16xi32>
      %max3A_300 = arith.maxui %min3A_291, %min3A_293 : vector<16xi32>
      %min3A_301 = arith.minui %min3A_291, %min3A_293 : vector<16xi32>
      %max3A_302 = arith.maxui %max3A_296, %min3A_295 : vector<16xi32>
      %min3A_303 = arith.minui %max3A_296, %min3A_295 : vector<16xi32>
      %max3A_304 = arith.maxui %max3A_300, %min3A_299 : vector<16xi32>
      %min3A_305 = arith.minui %max3A_300, %min3A_299 : vector<16xi32>
      %max3A_306 = arith.maxui %max3A_294, %max3A_298 : vector<16xi32>
      %min3A_307 = arith.minui %max3A_294, %max3A_298 : vector<16xi32>
      %max3A_308 = arith.maxui %min3A_297, %min3A_301 : vector<16xi32>
      %min3A_309 = arith.minui %min3A_297, %min3A_301 : vector<16xi32>
      %max3A_310 = arith.maxui %max3A_302, %max3A_304 : vector<16xi32>
      %min3A_311 = arith.minui %max3A_302, %max3A_304 : vector<16xi32>
      %max3A_312 = arith.maxui %min3A_303, %min3A_305 : vector<16xi32>
      %min3A_313 = arith.minui %min3A_303, %min3A_305 : vector<16xi32>
      %max3A_314 = arith.maxui %max3A_310, %min3A_307 : vector<16xi32>
      %min3A_315 = arith.minui %max3A_310, %min3A_307 : vector<16xi32>
      %max3A_316 = arith.maxui %max3A_308, %min3A_313 : vector<16xi32>
      %min3A_317 = arith.minui %max3A_308, %min3A_313 : vector<16xi32>
      %max3A_318 = arith.maxui %max3A_312, %min3A_315 : vector<16xi32>
      %min3A_319 = arith.minui %max3A_312, %min3A_315 : vector<16xi32>
      %max3A_320 = arith.maxui %max3A_316, %min3A_311 : vector<16xi32>
      %min3A_321 = arith.minui %max3A_316, %min3A_311 : vector<16xi32>
      %max3A_322 = arith.maxui %max3A_320, %min3A_319 : vector<16xi32>
      %min3A_323 = arith.minui %max3A_320, %min3A_319 : vector<16xi32>
      %max3A_324 = arith.maxui %max3A_236, %min3A_309 : vector<16xi32>
      %max3A_325 = arith.maxui %max3A_244, %min3A_317 : vector<16xi32>
      %max3A_326 = arith.maxui %max3A_248, %min3A_321 : vector<16xi32>
      %max3A_327 = arith.maxui %max3A_252, %min3A_323 : vector<16xi32>
      %max3A_328 = arith.maxui %min3A_253, %max3A_322 : vector<16xi32>
      %max3A_329 = arith.maxui %min3A_251, %max3A_318 : vector<16xi32>
      %max3A_330 = arith.maxui %min3A_247, %max3A_314 : vector<16xi32>
      %max3A_331 = arith.maxui %min3A_239, %max3A_306 : vector<16xi32>
      %max3A_332 = arith.maxui %max3A_324, %max3A_328 : vector<16xi32>
      %min3A_333 = arith.minui %max3A_324, %max3A_328 : vector<16xi32>
      %max3A_334 = arith.maxui %max3A_325, %max3A_329 : vector<16xi32>
      %min3A_335 = arith.minui %max3A_325, %max3A_329 : vector<16xi32>
      %max3A_336 = arith.maxui %max3A_326, %max3A_330 : vector<16xi32>
      %min3A_337 = arith.minui %max3A_326, %max3A_330 : vector<16xi32>
      %max3A_338 = arith.maxui %max3A_327, %max3A_331 : vector<16xi32>
      %min3A_339 = arith.minui %max3A_327, %max3A_331 : vector<16xi32>
      %max3A_340 = arith.maxui %max3A_332, %max3A_336 : vector<16xi32>
      %min3A_341 = arith.minui %max3A_332, %max3A_336 : vector<16xi32>
      %max3A_342 = arith.maxui %max3A_334, %max3A_338 : vector<16xi32>
      %min3A_343 = arith.minui %max3A_334, %max3A_338 : vector<16xi32>
      %max3A_344 = arith.maxui %min3A_333, %min3A_337 : vector<16xi32>
      %min3A_345 = arith.minui %min3A_333, %min3A_337 : vector<16xi32>
      %max3A_346 = arith.maxui %min3A_335, %min3A_339 : vector<16xi32>
      %min3A_347 = arith.minui %min3A_335, %min3A_339 : vector<16xi32>
      %max3A_348 = arith.maxui %max3A_340, %max3A_342 : vector<16xi32>
      %min3A_349 = arith.minui %max3A_340, %max3A_342 : vector<16xi32>
      %max3A_350 = arith.maxui %min3A_341, %min3A_343 : vector<16xi32>
      %min3A_351 = arith.minui %min3A_341, %min3A_343 : vector<16xi32>
      %max3A_352 = arith.maxui %max3A_344, %max3A_346 : vector<16xi32>
      %min3A_353 = arith.minui %max3A_344, %max3A_346 : vector<16xi32>
      %max3A_354 = arith.maxui %min3A_345, %min3A_347 : vector<16xi32>
      %min3A_355 = arith.minui %min3A_345, %min3A_347 : vector<16xi32>
      %max3A_356 = arith.maxui %max3A_176, %min3A_355 : vector<16xi32>
      %max3A_357 = arith.maxui %min3A_177, %max3A_354 : vector<16xi32>
      %max3A_358 = arith.maxui %max3A_178, %min3A_353 : vector<16xi32>
      %max3A_359 = arith.maxui %min3A_179, %max3A_352 : vector<16xi32>
      %max3A_360 = arith.maxui %max3A_180, %min3A_351 : vector<16xi32>
      %max3A_361 = arith.maxui %min3A_181, %max3A_350 : vector<16xi32>
      %max3A_362 = arith.maxui %max3A_182, %min3A_349 : vector<16xi32>
      %max3A_363 = arith.maxui %min3A_183, %max3A_348 : vector<16xi32>
      %max3A_364 = arith.maxui %max3A_356, %max3A_360 : vector<16xi32>
      %min3A_365 = arith.minui %max3A_356, %max3A_360 : vector<16xi32>
      %max3A_366 = arith.maxui %max3A_357, %max3A_361 : vector<16xi32>
      %min3A_367 = arith.minui %max3A_357, %max3A_361 : vector<16xi32>
      %max3A_368 = arith.maxui %max3A_358, %max3A_362 : vector<16xi32>
      %min3A_369 = arith.minui %max3A_358, %max3A_362 : vector<16xi32>
      %max3A_370 = arith.maxui %max3A_359, %max3A_363 : vector<16xi32>
      %min3A_371 = arith.minui %max3A_359, %max3A_363 : vector<16xi32>
      %max3A_372 = arith.maxui %max3A_364, %max3A_368 : vector<16xi32>
      %min3A_373 = arith.minui %max3A_364, %max3A_368 : vector<16xi32>
      %max3A_374 = arith.maxui %max3A_366, %max3A_370 : vector<16xi32>
      %min3A_375 = arith.minui %max3A_366, %max3A_370 : vector<16xi32>
      %max3A_376 = arith.maxui %min3A_365, %min3A_369 : vector<16xi32>
      %min3A_377 = arith.minui %min3A_365, %min3A_369 : vector<16xi32>
      %max3A_378 = arith.maxui %min3A_367, %min3A_371 : vector<16xi32>
      %min3A_379 = arith.minui %min3A_367, %min3A_371 : vector<16xi32>
      %max3A_380 = arith.maxui %max3A_372, %max3A_374 : vector<16xi32>
      %min3A_381 = arith.minui %max3A_372, %max3A_374 : vector<16xi32>
      %max3A_382 = arith.maxui %min3A_373, %min3A_375 : vector<16xi32>
      %min3A_383 = arith.minui %min3A_373, %min3A_375 : vector<16xi32>
      %max3A_384 = arith.maxui %max3A_376, %max3A_378 : vector<16xi32>
      %min3A_385 = arith.minui %max3A_376, %max3A_378 : vector<16xi32>
      %max3A_386 = arith.maxui %min3A_377, %min3A_379 : vector<16xi32>
      %min3A_387 = arith.minui %min3A_377, %min3A_379 : vector<16xi32>
      %get3A_388 = arith.constant 32 : i32
      %get3A_389 = arith.index_cast %get3A_388 : i32 to index
      %get3A_390 = arith.index_cast %mul3A_14 : i32 to index
      %get3A_391 = tpu.vector_load %arg5[%get3A_389, %get3A_390] {strides = array<i32>} : memref<64x1024xi32, #tpu.memory_space<vmem>>, vector<16xi32>,
      %get3A_392 = arith.constant 33 : i32
      %get3A_393 = arith.index_cast %get3A_392 : i32 to index
      %get3A_394 = arith.index_cast %mul3A_14 : i32 to index
      %get3A_395 = tpu.vector_load %arg5[%get3A_393, %get3A_394] {strides = array<i32>} : memref<64x1024xi32, #tpu.memory_space<vmem>>, vector<16xi32>,
      %get3A_396 = arith.constant 34 : i32
      %get3A_397 = arith.index_cast %get3A_396 : i32 to index
      %get3A_398 = arith.index_cast %mul3A_14 : i32 to index
      %get3A_399 = tpu.vector_load %arg5[%get3A_397, %get3A_398] {strides = array<i32>} : memref<64x1024xi32, #tpu.memory_space<vmem>>, vector<16xi32>,
      %get3A_400 = arith.constant 35 : i32
      %get3A_401 = arith.index_cast %get3A_400 : i32 to index
      %get3A_402 = arith.index_cast %mul3A_14 : i32 to index
      %get3A_403 = tpu.vector_load %arg5[%get3A_401, %get3A_402] {strides = array<i32>} : memref<64x1024xi32, #tpu.memory_space<vmem>>, vector<16xi32>,
      %get3A_404 = arith.constant 36 : i32
      %get3A_405 = arith.index_cast %get3A_404 : i32 to index
      %get3A_406 = arith.index_cast %mul3A_14 : i32 to index
      %get3A_407 = tpu.vector_load %arg5[%get3A_405, %get3A_406] {strides = array<i32>} : memref<64x1024xi32, #tpu.memory_space<vmem>>, vector<16xi32>,
      %get3A_408 = arith.constant 37 : i32
      %get3A_409 = arith.index_cast %get3A_408 : i32 to index
      %get3A_410 = arith.index_cast %mul3A_14 : i32 to index
      %get3A_411 = tpu.vector_load %arg5[%get3A_409, %get3A_410] {strides = array<i32>} : memref<64x1024xi32, #tpu.memory_space<vmem>>, vector<16xi32>,
      %get3A_412 = arith.constant 38 : i32
      %get3A_413 = arith.index_cast %get3A_412 : i32 to index
      %get3A_414 = arith.index_cast %mul3A_14 : i32 to index
      %get3A_415 = tpu.vector_load %arg5[%get3A_413, %get3A_414] {strides = array<i32>} : memref<64x1024xi32, #tpu.memory_space<vmem>>, vector<16xi32>,
      %get3A_416 = arith.constant 39 : i32
      %get3A_417 = arith.index_cast %get3A_416 : i32 to index
      %get3A_418 = arith.index_cast %mul3A_14 : i32 to index
      %get3A_419 = tpu.vector_load %arg5[%get3A_417, %get3A_418] {strides = array<i32>} : memref<64x1024xi32, #tpu.memory_space<vmem>>, vector<16xi32>,
      %max3A_420 = arith.maxui %get3A_391, %get3A_395 : vector<16xi32>
      %min3A_421 = arith.minui %get3A_391, %get3A_395 : vector<16xi32>
      %max3A_422 = arith.maxui %get3A_399, %get3A_403 : vector<16xi32>
      %min3A_423 = arith.minui %get3A_399, %get3A_403 : vector<16xi32>
      %max3A_424 = arith.maxui %get3A_407, %get3A_411 : vector<16xi32>
      %min3A_425 = arith.minui %get3A_407, %get3A_411 : vector<16xi32>
      %max3A_426 = arith.maxui %get3A_415, %get3A_419 : vector<16xi32>
      %min3A_427 = arith.minui %get3A_415, %get3A_419 : vector<16xi32>
      %max3A_428 = arith.maxui %max3A_420, %max3A_422 : vector<16xi32>
      %min3A_429 = arith.minui %max3A_420, %max3A_422 : vector<16xi32>
      %max3A_430 = arith.maxui %min3A_421, %min3A_423 : vector<16xi32>
      %min3A_431 = arith.minui %min3A_421, %min3A_423 : vector<16xi32>
      %max3A_432 = arith.maxui %max3A_424, %max3A_426 : vector<16xi32>
      %min3A_433 = arith.minui %max3A_424, %max3A_426 : vector<16xi32>
      %max3A_434 = arith.maxui %min3A_425, %min3A_427 : vector<16xi32>
      %min3A_435 = arith.minui %min3A_425, %min3A_427 : vector<16xi32>
      %max3A_436 = arith.maxui %max3A_430, %min3A_429 : vector<16xi32>
      %min3A_437 = arith.minui %max3A_430, %min3A_429 : vector<16xi32>
      %max3A_438 = arith.maxui %max3A_434, %min3A_433 : vector<16xi32>
      %min3A_439 = arith.minui %max3A_434, %min3A_433 : vector<16xi32>
      %max3A_440 = arith.maxui %max3A_428, %max3A_432 : vector<16xi32>
      %min3A_441 = arith.minui %max3A_428, %max3A_432 : vector<16xi32>
      %max3A_442 = arith.maxui %min3A_431, %min3A_435 : vector<16xi32>
      %min3A_443 = arith.minui %min3A_431, %min3A_435 : vector<16xi32>
      %max3A_444 = arith.maxui %max3A_436, %max3A_438 : vector<16xi32>
      %min3A_445 = arith.minui %max3A_436, %max3A_438 : vector<16xi32>
      %max3A_446 = arith.maxui %min3A_437, %min3A_439 : vector<16xi32>
      %min3A_447 = arith.minui %min3A_437, %min3A_439 : vector<16xi32>
      %max3A_448 = arith.maxui %max3A_444, %min3A_441 : vector<16xi32>
      %min3A_449 = arith.minui %max3A_444, %min3A_441 : vector<16xi32>
      %max3A_450 = arith.maxui %max3A_442, %min3A_447 : vector<16xi32>
      %min3A_451 = arith.minui %max3A_442, %min3A_447 : vector<16xi32>
      %max3A_452 = arith.maxui %max3A_446, %min3A_449 : vector<16xi32>
      %min3A_453 = arith.minui %max3A_446, %min3A_449 : vector<16xi32>
      %max3A_454 = arith.maxui %max3A_450, %min3A_445 : vector<16xi32>
      %min3A_455 = arith.minui %max3A_450, %min3A_445 : vector<16xi32>
      %max3A_456 = arith.maxui %max3A_454, %min3A_453 : vector<16xi32>
      %min3A_457 = arith.minui %max3A_454, %min3A_453 : vector<16xi32>
      %get3A_458 = arith.constant 40 : i32
      %get3A_459 = arith.index_cast %get3A_458 : i32 to index
      %get3A_460 = arith.index_cast %mul3A_14 : i32 to index
      %get3A_461 = tpu.vector_load %arg5[%get3A_459, %get3A_460] {strides = array<i32>} : memref<64x1024xi32, #tpu.memory_space<vmem>>, vector<16xi32>,
      %get3A_462 = arith.constant 41 : i32
      %get3A_463 = arith.index_cast %get3A_462 : i32 to index
      %get3A_464 = arith.index_cast %mul3A_14 : i32 to index
      %get3A_465 = tpu.vector_load %arg5[%get3A_463, %get3A_464] {strides = array<i32>} : memref<64x1024xi32, #tpu.memory_space<vmem>>, vector<16xi32>,
      %get3A_466 = arith.constant 42 : i32
      %get3A_467 = arith.index_cast %get3A_466 : i32 to index
      %get3A_468 = arith.index_cast %mul3A_14 : i32 to index
      %get3A_469 = tpu.vector_load %arg5[%get3A_467, %get3A_468] {strides = array<i32>} : memref<64x1024xi32, #tpu.memory_space<vmem>>, vector<16xi32>,
      %get3A_470 = arith.constant 43 : i32
      %get3A_471 = arith.index_cast %get3A_470 : i32 to index
      %get3A_472 = arith.index_cast %mul3A_14 : i32 to index
      %get3A_473 = tpu.vector_load %arg5[%get3A_471, %get3A_472] {strides = array<i32>} : memref<64x1024xi32, #tpu.memory_space<vmem>>, vector<16xi32>,
      %get3A_474 = arith.constant 44 : i32
      %get3A_475 = arith.index_cast %get3A_474 : i32 to index
      %get3A_476 = arith.index_cast %mul3A_14 : i32 to index
      %get3A_477 = tpu.vector_load %arg5[%get3A_475, %get3A_476] {strides = array<i32>} : memref<64x1024xi32, #tpu.memory_space<vmem>>, vector<16xi32>,
      %get3A_478 = arith.constant 45 : i32
      %get3A_479 = arith.index_cast %get3A_478 : i32 to index
      %get3A_480 = arith.index_cast %mul3A_14 : i32 to index
      %get3A_481 = tpu.vector_load %arg5[%get3A_479, %get3A_480] {strides = array<i32>} : memref<64x1024xi32, #tpu.memory_space<vmem>>, vector<16xi32>,
      %get3A_482 = arith.constant 46 : i32
      %get3A_483 = arith.index_cast %get3A_482 : i32 to index
      %get3A_484 = arith.index_cast %mul3A_14 : i32 to index
      %get3A_485 = tpu.vector_load %arg5[%get3A_483, %get3A_484] {strides = array<i32>} : memref<64x1024xi32, #tpu.memory_space<vmem>>, vector<16xi32>,
      %get3A_486 = arith.constant 47 : i32
      %get3A_487 = arith.index_cast %get3A_486 : i32 to index
      %get3A_488 = arith.index_cast %mul3A_14 : i32 to index
      %get3A_489 = tpu.vector_load %arg5[%get3A_487, %get3A_488] {strides = array<i32>} : memref<64x1024xi32, #tpu.memory_space<vmem>>, vector<16xi32>,
      %max3A_490 = arith.maxui %get3A_461, %get3A_465 : vector<16xi32>
      %min3A_491 = arith.minui %get3A_461, %get3A_465 : vector<16xi32>
      %max3A_492 = arith.maxui %get3A_469, %get3A_473 : vector<16xi32>
      %min3A_493 = arith.minui %get3A_469, %get3A_473 : vector<16xi32>
      %max3A_494 = arith.maxui %get3A_477, %get3A_481 : vector<16xi32>
      %min3A_495 = arith.minui %get3A_477, %get3A_481 : vector<16xi32>
      %max3A_496 = arith.maxui %get3A_485, %get3A_489 : vector<16xi32>
      %min3A_497 = arith.minui %get3A_485, %get3A_489 : vector<16xi32>
      %max3A_498 = arith.maxui %max3A_490, %max3A_492 : vector<16xi32>
      %min3A_499 = arith.minui %max3A_490, %max3A_492 : vector<16xi32>
      %max3A_500 = arith.maxui %min3A_491, %min3A_493 : vector<16xi32>
      %min3A_501 = arith.minui %min3A_491, %min3A_493 : vector<16xi32>
      %max3A_502 = arith.maxui %max3A_494, %max3A_496 : vector<16xi32>
      %min3A_503 = arith.minui %max3A_494, %max3A_496 : vector<16xi32>
      %max3A_504 = arith.maxui %min3A_495, %min3A_497 : vector<16xi32>
      %min3A_505 = arith.minui %min3A_495, %min3A_497 : vector<16xi32>
      %max3A_506 = arith.maxui %max3A_500, %min3A_499 : vector<16xi32>
      %min3A_507 = arith.minui %max3A_500, %min3A_499 : vector<16xi32>
      %max3A_508 = arith.maxui %max3A_504, %min3A_503 : vector<16xi32>
      %min3A_509 = arith.minui %max3A_504, %min3A_503 : vector<16xi32>
      %max3A_510 = arith.maxui %max3A_498, %max3A_502 : vector<16xi32>
      %min3A_511 = arith.minui %max3A_498, %max3A_502 : vector<16xi32>
      %max3A_512 = arith.maxui %min3A_501, %min3A_505 : vector<16xi32>
      %min3A_513 = arith.minui %min3A_501, %min3A_505 : vector<16xi32>
      %max3A_514 = arith.maxui %max3A_506, %max3A_508 : vector<16xi32>
      %min3A_515 = arith.minui %max3A_506, %max3A_508 : vector<16xi32>
      %max3A_516 = arith.maxui %min3A_507, %min3A_509 : vector<16xi32>
      %min3A_517 = arith.minui %min3A_507, %min3A_509 : vector<16xi32>
      %max3A_518 = arith.maxui %max3A_514, %min3A_511 : vector<16xi32>
      %min3A_519 = arith.minui %max3A_514, %min3A_511 : vector<16xi32>
      %max3A_520 = arith.maxui %max3A_512, %min3A_517 : vector<16xi32>
      %min3A_521 = arith.minui %max3A_512, %min3A_517 : vector<16xi32>
      %max3A_522 = arith.maxui %max3A_516, %min3A_519 : vector<16xi32>
      %min3A_523 = arith.minui %max3A_516, %min3A_519 : vector<16xi32>
      %max3A_524 = arith.maxui %max3A_520, %min3A_515 : vector<16xi32>
      %min3A_525 = arith.minui %max3A_520, %min3A_515 : vector<16xi32>
      %max3A_526 = arith.maxui %max3A_524, %min3A_523 : vector<16xi32>
      %min3A_527 = arith.minui %max3A_524, %min3A_523 : vector<16xi32>
      %max3A_528 = arith.maxui %max3A_440, %min3A_513 : vector<16xi32>
      %max3A_529 = arith.maxui %max3A_448, %min3A_521 : vector<16xi32>
      %max3A_530 = arith.maxui %max3A_452, %min3A_525 : vector<16xi32>
      %max3A_531 = arith.maxui %max3A_456, %min3A_527 : vector<16xi32>
      %max3A_532 = arith.maxui %min3A_457, %max3A_526 : vector<16xi32>
      %max3A_533 = arith.maxui %min3A_455, %max3A_522 : vector<16xi32>
      %max3A_534 = arith.maxui %min3A_451, %max3A_518 : vector<16xi32>
      %max3A_535 = arith.maxui %min3A_443, %max3A_510 : vector<16xi32>
      %max3A_536 = arith.maxui %max3A_528, %max3A_532 : vector<16xi32>
      %min3A_537 = arith.minui %max3A_528, %max3A_532 : vector<16xi32>
      %max3A_538 = arith.maxui %max3A_529, %max3A_533 : vector<16xi32>
      %min3A_539 = arith.minui %max3A_529, %max3A_533 : vector<16xi32>
      %max3A_540 = arith.maxui %max3A_530, %max3A_534 : vector<16xi32>
      %min3A_541 = arith.minui %max3A_530, %max3A_534 : vector<16xi32>
      %max3A_542 = arith.maxui %max3A_531, %max3A_535 : vector<16xi32>
      %min3A_543 = arith.minui %max3A_531, %max3A_535 : vector<16xi32>
      %max3A_544 = arith.maxui %max3A_536, %max3A_540 : vector<16xi32>
      %min3A_545 = arith.minui %max3A_536, %max3A_540 : vector<16xi32>
      %max3A_546 = arith.maxui %max3A_538, %max3A_542 : vector<16xi32>
      %min3A_547 = arith.minui %max3A_538, %max3A_542 : vector<16xi32>
      %max3A_548 = arith.maxui %min3A_537, %min3A_541 : vector<16xi32>
      %min3A_549 = arith.minui %min3A_537, %min3A_541 : vector<16xi32>
      %max3A_550 = arith.maxui %min3A_539, %min3A_543 : vector<16xi32>
      %min3A_551 = arith.minui %min3A_539, %min3A_543 : vector<16xi32>
      %max3A_552 = arith.maxui %max3A_544, %max3A_546 : vector<16xi32>
      %min3A_553 = arith.minui %max3A_544, %max3A_546 : vector<16xi32>
      %max3A_554 = arith.maxui %min3A_545, %min3A_547 : vector<16xi32>
      %min3A_555 = arith.minui %min3A_545, %min3A_547 : vector<16xi32>
      %max3A_556 = arith.maxui %max3A_548, %max3A_550 : vector<16xi32>
      %min3A_557 = arith.minui %max3A_548, %max3A_550 : vector<16xi32>
      %max3A_558 = arith.maxui %min3A_549, %min3A_551 : vector<16xi32>
      %min3A_559 = arith.minui %min3A_549, %min3A_551 : vector<16xi32>
      %get3A_560 = arith.constant 48 : i32
      %get3A_561 = arith.index_cast %get3A_560 : i32 to index
      %get3A_562 = arith.index_cast %mul3A_14 : i32 to index
      %get3A_563 = tpu.vector_load %arg5[%get3A_561, %get3A_562] {strides = array<i32>} : memref<64x1024xi32, #tpu.memory_space<vmem>>, vector<16xi32>,
      %get3A_564 = arith.constant 49 : i32
      %get3A_565 = arith.index_cast %get3A_564 : i32 to index
      %get3A_566 = arith.index_cast %mul3A_14 : i32 to index
      %get3A_567 = tpu.vector_load %arg5[%get3A_565, %get3A_566] {strides = array<i32>} : memref<64x1024xi32, #tpu.memory_space<vmem>>, vector<16xi32>,
      %get3A_568 = arith.constant 50 : i32
      %get3A_569 = arith.index_cast %get3A_568 : i32 to index
      %get3A_570 = arith.index_cast %mul3A_14 : i32 to index
      %get3A_571 = tpu.vector_load %arg5[%get3A_569, %get3A_570] {strides = array<i32>} : memref<64x1024xi32, #tpu.memory_space<vmem>>, vector<16xi32>,
      %get3A_572 = arith.constant 51 : i32
      %get3A_573 = arith.index_cast %get3A_572 : i32 to index
      %get3A_574 = arith.index_cast %mul3A_14 : i32 to index
      %get3A_575 = tpu.vector_load %arg5[%get3A_573, %get3A_574] {strides = array<i32>} : memref<64x1024xi32, #tpu.memory_space<vmem>>, vector<16xi32>,
      %get3A_576 = arith.constant 52 : i32
      %get3A_577 = arith.index_cast %get3A_576 : i32 to index
      %get3A_578 = arith.index_cast %mul3A_14 : i32 to index
      %get3A_579 = tpu.vector_load %arg5[%get3A_577, %get3A_578] {strides = array<i32>} : memref<64x1024xi32, #tpu.memory_space<vmem>>, vector<16xi32>,
      %get3A_580 = arith.constant 53 : i32
      %get3A_581 = arith.index_cast %get3A_580 : i32 to index
      %get3A_582 = arith.index_cast %mul3A_14 : i32 to index
      %get3A_583 = tpu.vector_load %arg5[%get3A_581, %get3A_582] {strides = array<i32>} : memref<64x1024xi32, #tpu.memory_space<vmem>>, vector<16xi32>,
      %get3A_584 = arith.constant 54 : i32
      %get3A_585 = arith.index_cast %get3A_584 : i32 to index
      %get3A_586 = arith.index_cast %mul3A_14 : i32 to index
      %get3A_587 = tpu.vector_load %arg5[%get3A_585, %get3A_586] {strides = array<i32>} : memref<64x1024xi32, #tpu.memory_space<vmem>>, vector<16xi32>,
      %get3A_588 = arith.constant 55 : i32
      %get3A_589 = arith.index_cast %get3A_588 : i32 to index
      %get3A_590 = arith.index_cast %mul3A_14 : i32 to index
      %get3A_591 = tpu.vector_load %arg5[%get3A_589, %get3A_590] {strides = array<i32>} : memref<64x1024xi32, #tpu.memory_space<vmem>>, vector<16xi32>,
      %max3A_592 = arith.maxui %get3A_563, %get3A_567 : vector<16xi32>
      %min3A_593 = arith.minui %get3A_563, %get3A_567 : vector<16xi32>
      %max3A_594 = arith.maxui %get3A_571, %get3A_575 : vector<16xi32>
      %min3A_595 = arith.minui %get3A_571, %get3A_575 : vector<16xi32>
      %max3A_596 = arith.maxui %get3A_579, %get3A_583 : vector<16xi32>
      %min3A_597 = arith.minui %get3A_579, %get3A_583 : vector<16xi32>
      %max3A_598 = arith.maxui %get3A_587, %get3A_591 : vector<16xi32>
      %min3A_599 = arith.minui %get3A_587, %get3A_591 : vector<16xi32>
      %max3A_600 = arith.maxui %max3A_592, %max3A_594 : vector<16xi32>
      %min3A_601 = arith.minui %max3A_592, %max3A_594 : vector<16xi32>
      %max3A_602 = arith.maxui %min3A_593, %min3A_595 : vector<16xi32>
      %min3A_603 = arith.minui %min3A_593, %min3A_595 : vector<16xi32>
      %max3A_604 = arith.maxui %max3A_596, %max3A_598 : vector<16xi32>
      %min3A_605 = arith.minui %max3A_596, %max3A_598 : vector<16xi32>
      %max3A_606 = arith.maxui %min3A_597, %min3A_599 : vector<16xi32>
      %min3A_607 = arith.minui %min3A_597, %min3A_599 : vector<16xi32>
      %max3A_608 = arith.maxui %max3A_602, %min3A_601 : vector<16xi32>
      %min3A_609 = arith.minui %max3A_602, %min3A_601 : vector<16xi32>
      %max3A_610 = arith.maxui %max3A_606, %min3A_605 : vector<16xi32>
      %min3A_611 = arith.minui %max3A_606, %min3A_605 : vector<16xi32>
      %max3A_612 = arith.maxui %max3A_600, %max3A_604 : vector<16xi32>
      %min3A_613 = arith.minui %max3A_600, %max3A_604 : vector<16xi32>
      %max3A_614 = arith.maxui %min3A_603, %min3A_607 : vector<16xi32>
      %min3A_615 = arith.minui %min3A_603, %min3A_607 : vector<16xi32>
      %max3A_616 = arith.maxui %max3A_608, %max3A_610 : vector<16xi32>
      %min3A_617 = arith.minui %max3A_608, %max3A_610 : vector<16xi32>
      %max3A_618 = arith.maxui %min3A_609, %min3A_611 : vector<16xi32>
      %min3A_619 = arith.minui %min3A_609, %min3A_611 : vector<16xi32>
      %max3A_620 = arith.maxui %max3A_616, %min3A_613 : vector<16xi32>
      %min3A_621 = arith.minui %max3A_616, %min3A_613 : vector<16xi32>
      %max3A_622 = arith.maxui %max3A_614, %min3A_619 : vector<16xi32>
      %min3A_623 = arith.minui %max3A_614, %min3A_619 : vector<16xi32>
      %max3A_624 = arith.maxui %max3A_618, %min3A_621 : vector<16xi32>
      %min3A_625 = arith.minui %max3A_618, %min3A_621 : vector<16xi32>
      %max3A_626 = arith.maxui %max3A_622, %min3A_617 : vector<16xi32>
      %min3A_627 = arith.minui %max3A_622, %min3A_617 : vector<16xi32>
      %max3A_628 = arith.maxui %max3A_626, %min3A_625 : vector<16xi32>
      %min3A_629 = arith.minui %max3A_626, %min3A_625 : vector<16xi32>
      %get3A_630 = arith.constant 56 : i32
      %get3A_631 = arith.index_cast %get3A_630 : i32 to index
      %get3A_632 = arith.index_cast %mul3A_14 : i32 to index
      %get3A_633 = tpu.vector_load %arg5[%get3A_631, %get3A_632] {strides = array<i32>} : memref<64x1024xi32, #tpu.memory_space<vmem>>, vector<16xi32>,
      %get3A_634 = arith.constant 57 : i32
      %get3A_635 = arith.index_cast %get3A_634 : i32 to index
      %get3A_636 = arith.index_cast %mul3A_14 : i32 to index
      %get3A_637 = tpu.vector_load %arg5[%get3A_635, %get3A_636] {strides = array<i32>} : memref<64x1024xi32, #tpu.memory_space<vmem>>, vector<16xi32>,
      %get3A_638 = arith.constant 58 : i32
      %get3A_639 = arith.index_cast %get3A_638 : i32 to index
      %get3A_640 = arith.index_cast %mul3A_14 : i32 to index
      %get3A_641 = tpu.vector_load %arg5[%get3A_639, %get3A_640] {strides = array<i32>} : memref<64x1024xi32, #tpu.memory_space<vmem>>, vector<16xi32>,
      %get3A_642 = arith.constant 59 : i32
      %get3A_643 = arith.index_cast %get3A_642 : i32 to index
      %get3A_644 = arith.index_cast %mul3A_14 : i32 to index
      %get3A_645 = tpu.vector_load %arg5[%get3A_643, %get3A_644] {strides = array<i32>} : memref<64x1024xi32, #tpu.memory_space<vmem>>, vector<16xi32>,
      %get3A_646 = arith.constant 60 : i32
      %get3A_647 = arith.index_cast %get3A_646 : i32 to index
      %get3A_648 = arith.index_cast %mul3A_14 : i32 to index
      %get3A_649 = tpu.vector_load %arg5[%get3A_647, %get3A_648] {strides = array<i32>} : memref<64x1024xi32, #tpu.memory_space<vmem>>, vector<16xi32>,
      %get3A_650 = arith.constant 61 : i32
      %get3A_651 = arith.index_cast %get3A_650 : i32 to index
      %get3A_652 = arith.index_cast %mul3A_14 : i32 to index
      %get3A_653 = tpu.vector_load %arg5[%get3A_651, %get3A_652] {strides = array<i32>} : memref<64x1024xi32, #tpu.memory_space<vmem>>, vector<16xi32>,
      %get3A_654 = arith.constant 62 : i32
      %get3A_655 = arith.index_cast %get3A_654 : i32 to index
      %get3A_656 = arith.index_cast %mul3A_14 : i32 to index
      %get3A_657 = tpu.vector_load %arg5[%get3A_655, %get3A_656] {strides = array<i32>} : memref<64x1024xi32, #tpu.memory_space<vmem>>, vector<16xi32>,
      %get3A_658 = arith.constant 63 : i32
      %get3A_659 = arith.index_cast %get3A_658 : i32 to index
      %get3A_660 = arith.index_cast %mul3A_14 : i32 to index
      %get3A_661 = tpu.vector_load %arg5[%get3A_659, %get3A_660] {strides = array<i32>} : memref<64x1024xi32, #tpu.memory_space<vmem>>, vector<16xi32>,
      %max3A_662 = arith.maxui %get3A_633, %get3A_637 : vector<16xi32>
      %min3A_663 = arith.minui %get3A_633, %get3A_637 : vector<16xi32>
      %max3A_664 = arith.maxui %get3A_641, %get3A_645 : vector<16xi32>
      %min3A_665 = arith.minui %get3A_641, %get3A_645 : vector<16xi32>
      %max3A_666 = arith.maxui %get3A_649, %get3A_653 : vector<16xi32>
      %min3A_667 = arith.minui %get3A_649, %get3A_653 : vector<16xi32>
      %max3A_668 = arith.maxui %get3A_657, %get3A_661 : vector<16xi32>
      %min3A_669 = arith.minui %get3A_657, %get3A_661 : vector<16xi32>
      %max3A_670 = arith.maxui %max3A_662, %max3A_664 : vector<16xi32>
      %min3A_671 = arith.minui %max3A_662, %max3A_664 : vector<16xi32>
      %max3A_672 = arith.maxui %min3A_663, %min3A_665 : vector<16xi32>
      %min3A_673 = arith.minui %min3A_663, %min3A_665 : vector<16xi32>
      %max3A_674 = arith.maxui %max3A_666, %max3A_668 : vector<16xi32>
      %min3A_675 = arith.minui %max3A_666, %max3A_668 : vector<16xi32>
      %max3A_676 = arith.maxui %min3A_667, %min3A_669 : vector<16xi32>
      %min3A_677 = arith.minui %min3A_667, %min3A_669 : vector<16xi32>
      %max3A_678 = arith.maxui %max3A_672, %min3A_671 : vector<16xi32>
      %min3A_679 = arith.minui %max3A_672, %min3A_671 : vector<16xi32>
      %max3A_680 = arith.maxui %max3A_676, %min3A_675 : vector<16xi32>
      %min3A_681 = arith.minui %max3A_676, %min3A_675 : vector<16xi32>
      %max3A_682 = arith.maxui %max3A_670, %max3A_674 : vector<16xi32>
      %min3A_683 = arith.minui %max3A_670, %max3A_674 : vector<16xi32>
      %max3A_684 = arith.maxui %min3A_673, %min3A_677 : vector<16xi32>
      %min3A_685 = arith.minui %min3A_673, %min3A_677 : vector<16xi32>
      %max3A_686 = arith.maxui %max3A_678, %max3A_680 : vector<16xi32>
      %min3A_687 = arith.minui %max3A_678, %max3A_680 : vector<16xi32>
      %max3A_688 = arith.maxui %min3A_679, %min3A_681 : vector<16xi32>
      %min3A_689 = arith.minui %min3A_679, %min3A_681 : vector<16xi32>
      %max3A_690 = arith.maxui %max3A_686, %min3A_683 : vector<16xi32>
      %min3A_691 = arith.minui %max3A_686, %min3A_683 : vector<16xi32>
      %max3A_692 = arith.maxui %max3A_684, %min3A_689 : vector<16xi32>
      %min3A_693 = arith.minui %max3A_684, %min3A_689 : vector<16xi32>
      %max3A_694 = arith.maxui %max3A_688, %min3A_691 : vector<16xi32>
      %min3A_695 = arith.minui %max3A_688, %min3A_691 : vector<16xi32>
      %max3A_696 = arith.maxui %max3A_692, %min3A_687 : vector<16xi32>
      %min3A_697 = arith.minui %max3A_692, %min3A_687 : vector<16xi32>
      %max3A_698 = arith.maxui %max3A_696, %min3A_695 : vector<16xi32>
      %min3A_699 = arith.minui %max3A_696, %min3A_695 : vector<16xi32>
      %max3A_700 = arith.maxui %max3A_612, %min3A_685 : vector<16xi32>
      %max3A_701 = arith.maxui %max3A_620, %min3A_693 : vector<16xi32>
      %max3A_702 = arith.maxui %max3A_624, %min3A_697 : vector<16xi32>
      %max3A_703 = arith.maxui %max3A_628, %min3A_699 : vector<16xi32>
      %max3A_704 = arith.maxui %min3A_629, %max3A_698 : vector<16xi32>
      %max3A_705 = arith.maxui %min3A_627, %max3A_694 : vector<16xi32>
      %max3A_706 = arith.maxui %min3A_623, %max3A_690 : vector<16xi32>
      %max3A_707 = arith.maxui %min3A_615, %max3A_682 : vector<16xi32>
      %max3A_708 = arith.maxui %max3A_700, %max3A_704 : vector<16xi32>
      %min3A_709 = arith.minui %max3A_700, %max3A_704 : vector<16xi32>
      %max3A_710 = arith.maxui %max3A_701, %max3A_705 : vector<16xi32>
      %min3A_711 = arith.minui %max3A_701, %max3A_705 : vector<16xi32>
      %max3A_712 = arith.maxui %max3A_702, %max3A_706 : vector<16xi32>
      %min3A_713 = arith.minui %max3A_702, %max3A_706 : vector<16xi32>
      %max3A_714 = arith.maxui %max3A_703, %max3A_707 : vector<16xi32>
      %min3A_715 = arith.minui %max3A_703, %max3A_707 : vector<16xi32>
      %max3A_716 = arith.maxui %max3A_708, %max3A_712 : vector<16xi32>
      %min3A_717 = arith.minui %max3A_708, %max3A_712 : vector<16xi32>
      %max3A_718 = arith.maxui %max3A_710, %max3A_714 : vector<16xi32>
      %min3A_719 = arith.minui %max3A_710, %max3A_714 : vector<16xi32>
      %max3A_720 = arith.maxui %min3A_709, %min3A_713 : vector<16xi32>
      %min3A_721 = arith.minui %min3A_709, %min3A_713 : vector<16xi32>
      %max3A_722 = arith.maxui %min3A_711, %min3A_715 : vector<16xi32>
      %min3A_723 = arith.minui %min3A_711, %min3A_715 : vector<16xi32>
      %max3A_724 = arith.maxui %max3A_716, %max3A_718 : vector<16xi32>
      %min3A_725 = arith.minui %max3A_716, %max3A_718 : vector<16xi32>
      %max3A_726 = arith.maxui %min3A_717, %min3A_719 : vector<16xi32>
      %min3A_727 = arith.minui %min3A_717, %min3A_719 : vector<16xi32>
      %max3A_728 = arith.maxui %max3A_720, %max3A_722 : vector<16xi32>
      %min3A_729 = arith.minui %max3A_720, %max3A_722 : vector<16xi32>
      %max3A_730 = arith.maxui %min3A_721, %min3A_723 : vector<16xi32>
      %min3A_731 = arith.minui %min3A_721, %min3A_723 : vector<16xi32>
      %max3A_732 = arith.maxui %max3A_552, %min3A_731 : vector<16xi32>
      %max3A_733 = arith.maxui %min3A_553, %max3A_730 : vector<16xi32>
      %max3A_734 = arith.maxui %max3A_554, %min3A_729 : vector<16xi32>
      %max3A_735 = arith.maxui %min3A_555, %max3A_728 : vector<16xi32>
      %max3A_736 = arith.maxui %max3A_556, %min3A_727 : vector<16xi32>
      %max3A_737 = arith.maxui %min3A_557, %max3A_726 : vector<16xi32>
      %max3A_738 = arith.maxui %max3A_558, %min3A_725 : vector<16xi32>
      %max3A_739 = arith.maxui %min3A_559, %max3A_724 : vector<16xi32>
      %max3A_740 = arith.maxui %max3A_732, %max3A_736 : vector<16xi32>
      %min3A_741 = arith.minui %max3A_732, %max3A_736 : vector<16xi32>
      %max3A_742 = arith.maxui %max3A_733, %max3A_737 : vector<16xi32>
      %min3A_743 = arith.minui %max3A_733, %max3A_737 : vector<16xi32>
      %max3A_744 = arith.maxui %max3A_734, %max3A_738 : vector<16xi32>
      %min3A_745 = arith.minui %max3A_734, %max3A_738 : vector<16xi32>
      %max3A_746 = arith.maxui %max3A_735, %max3A_739 : vector<16xi32>
      %min3A_747 = arith.minui %max3A_735, %max3A_739 : vector<16xi32>
      %max3A_748 = arith.maxui %max3A_740, %max3A_744 : vector<16xi32>
      %min3A_749 = arith.minui %max3A_740, %max3A_744 : vector<16xi32>
      %max3A_750 = arith.maxui %max3A_742, %max3A_746 : vector<16xi32>
      %min3A_751 = arith.minui %max3A_742, %max3A_746 : vector<16xi32>
      %max3A_752 = arith.maxui %min3A_741, %min3A_745 : vector<16xi32>
      %min3A_753 = arith.minui %min3A_741, %min3A_745 : vector<16xi32>
      %max3A_754 = arith.maxui %min3A_743, %min3A_747 : vector<16xi32>
      %min3A_755 = arith.minui %min3A_743, %min3A_747 : vector<16xi32>
      %max3A_756 = arith.maxui %max3A_748, %max3A_750 : vector<16xi32>
      %min3A_757 = arith.minui %max3A_748, %max3A_750 : vector<16xi32>
      %max3A_758 = arith.maxui %min3A_749, %min3A_751 : vector<16xi32>
      %min3A_759 = arith.minui %min3A_749, %min3A_751 : vector<16xi32>
      %max3A_760 = arith.maxui %max3A_752, %max3A_754 : vector<16xi32>
      %min3A_761 = arith.minui %max3A_752, %max3A_754 : vector<16xi32>
      %max3A_762 = arith.maxui %min3A_753, %min3A_755 : vector<16xi32>
      %min3A_763 = arith.minui %min3A_753, %min3A_755 : vector<16xi32>
      %max3A_764 = arith.maxui %max3A_380, %min3A_763 : vector<16xi32>
      %max3A_765 = arith.maxui %min3A_381, %max3A_762 : vector<16xi32>
      %max3A_766 = arith.maxui %max3A_382, %min3A_761 : vector<16xi32>
      %max3A_767 = arith.maxui %min3A_383, %max3A_760 : vector<16xi32>
      %max3A_768 = arith.maxui %max3A_384, %min3A_759 : vector<16xi32>
      %max3A_769 = arith.maxui %min3A_385, %max3A_758 : vector<16xi32>
      %max3A_770 = arith.maxui %max3A_386, %min3A_757 : vector<16xi32>
      %max3A_771 = arith.maxui %min3A_387, %max3A_756 : vector<16xi32>
      %max3A_772 = arith.maxui %max3A_764, %max3A_768 : vector<16xi32>
      %min3A_773 = arith.minui %max3A_764, %max3A_768 : vector<16xi32>
      %max3A_774 = arith.maxui %max3A_765, %max3A_769 : vector<16xi32>
      %min3A_775 = arith.minui %max3A_765, %max3A_769 : vector<16xi32>
      %max3A_776 = arith.maxui %max3A_766, %max3A_770 : vector<16xi32>
      %min3A_777 = arith.minui %max3A_766, %max3A_770 : vector<16xi32>
      %max3A_778 = arith.maxui %max3A_767, %max3A_771 : vector<16xi32>
      %min3A_779 = arith.minui %max3A_767, %max3A_771 : vector<16xi32>
      %max3A_780 = arith.maxui %max3A_772, %max3A_776 : vector<16xi32>
      %min3A_781 = arith.minui %max3A_772, %max3A_776 : vector<16xi32>
      %max3A_782 = arith.maxui %max3A_774, %max3A_778 : vector<16xi32>
      %min3A_783 = arith.minui %max3A_774, %max3A_778 : vector<16xi32>
      %max3A_784 = arith.maxui %min3A_773, %min3A_777 : vector<16xi32>
      %min3A_785 = arith.minui %min3A_773, %min3A_777 : vector<16xi32>
      %max3A_786 = arith.maxui %min3A_775, %min3A_779 : vector<16xi32>
      %min3A_787 = arith.minui %min3A_775, %min3A_779 : vector<16xi32>
      %max3A_788 = arith.maxui %max3A_780, %max3A_782 : vector<16xi32>
      %min3A_789 = arith.minui %max3A_780, %max3A_782 : vector<16xi32>
      %max3A_790 = arith.maxui %min3A_781, %min3A_783 : vector<16xi32>
      %min3A_791 = arith.minui %min3A_781, %min3A_783 : vector<16xi32>
      %max3A_792 = arith.maxui %max3A_784, %max3A_786 : vector<16xi32>
      %min3A_793 = arith.minui %max3A_784, %max3A_786 : vector<16xi32>
      %max3A_794 = arith.maxui %min3A_785, %min3A_787 : vector<16xi32>
      %min3A_795 = arith.minui %min3A_785, %min3A_787 : vector<16xi32>
      %and3A = arith.constant 63 : i32
      %and3A_796 = vector.broadcast %and3A : i32 to vector<16xi32>
      %and3A_797 = arith.andi %max3A_788, %and3A_796 : vector<16xi32>
      %xor3A = arith.xori %max3A_788, %and3A_797 : vector<16xi32>
      %bitcast3A = vector.bitcast %xor3A : vector<16xi32> to vector<16xi32>
      %shift_right_arithmetic3A = arith.constant 31 : i32
      %shift_right_arithmetic3A_798 = vector.broadcast %shift_right_arithmetic3A : i32 to vector<16xi32>
      %shift_right_arithmetic3A_799 = arith.shrsi %bitcast3A, %shift_right_arithmetic3A_798 : vector<16xi32>
      %xor3A_800 = arith.constant -1 : i32
      %xor3A_801 = vector.broadcast %xor3A_800 : i32 to vector<16xi32>
      %xor3A_802 = arith.xori %shift_right_arithmetic3A_799, %xor3A_801 : vector<16xi32>
      %or3A = arith.constant -2147483648 : i32
      %or3A_803 = vector.broadcast %or3A : i32 to vector<16xi32>
      %or3A_804 = arith.ori %xor3A_802, %or3A_803 : vector<16xi32>
      %bitcast3A_805 = vector.bitcast %and3A_797 : vector<16xi32> to vector<16xi32>
      %xor3A_806 = arith.xori %bitcast3A, %or3A_804 : vector<16xi32>
      %bitcast3A_807 = vector.bitcast %xor3A_806 : vector<16xi32> to vector<16xf32>
      %and3A_808 = arith.constant 63 : i32
      %and3A_809 = vector.broadcast %and3A_808 : i32 to vector<16xi32>
      %and3A_810 = arith.andi %min3A_789, %and3A_809 : vector<16xi32>
      %xor3A_811 = arith.xori %min3A_789, %and3A_810 : vector<16xi32>
      %bitcast3A_812 = vector.bitcast %xor3A_811 : vector<16xi32> to vector<16xi32>
      %shift_right_arithmetic3A_813 = arith.constant 31 : i32
      %shift_right_arithmetic3A_814 = vector.broadcast %shift_right_arithmetic3A_813 : i32 to vector<16xi32>
      %shift_right_arithmetic3A_815 = arith.shrsi %bitcast3A_812, %shift_right_arithmetic3A_814 : vector<16xi32>
      %xor3A_816 = arith.constant -1 : i32
      %xor3A_817 = vector.broadcast %xor3A_816 : i32 to vector<16xi32>
      %xor3A_818 = arith.xori %shift_right_arithmetic3A_815, %xor3A_817 : vector<16xi32>
      %or3A_819 = arith.constant -2147483648 : i32
      %or3A_820 = vector.broadcast %or3A_819 : i32 to vector<16xi32>
      %or3A_821 = arith.ori %xor3A_818, %or3A_820 : vector<16xi32>
      %bitcast3A_822 = vector.bitcast %and3A_810 : vector<16xi32> to vector<16xi32>
      %xor3A_823 = arith.xori %bitcast3A_812, %or3A_821 : vector<16xi32>
      %bitcast3A_824 = vector.bitcast %xor3A_823 : vector<16xi32> to vector<16xf32>
      %and3A_825 = arith.constant 63 : i32
      %and3A_826 = vector.broadcast %and3A_825 : i32 to vector<16xi32>
      %and3A_827 = arith.andi %max3A_790, %and3A_826 : vector<16xi32>
      %xor3A_828 = arith.xori %max3A_790, %and3A_827 : vector<16xi32>
      %bitcast3A_829 = vector.bitcast %xor3A_828 : vector<16xi32> to vector<16xi32>
      %shift_right_arithmetic3A_830 = arith.constant 31 : i32
      %shift_right_arithmetic3A_831 = vector.broadcast %shift_right_arithmetic3A_830 : i32 to vector<16xi32>
      %shift_right_arithmetic3A_832 = arith.shrsi %bitcast3A_829, %shift_right_arithmetic3A_831 : vector<16xi32>
      %xor3A_833 = arith.constant -1 : i32
      %xor3A_834 = vector.broadcast %xor3A_833 : i32 to vector<16xi32>
      %xor3A_835 = arith.xori %shift_right_arithmetic3A_832, %xor3A_834 : vector<16xi32>
      %or3A_836 = arith.constant -2147483648 : i32
      %or3A_837 = vector.broadcast %or3A_836 : i32 to vector<16xi32>
      %or3A_838 = arith.ori %xor3A_835, %or3A_837 : vector<16xi32>
      %bitcast3A_839 = vector.bitcast %and3A_827 : vector<16xi32> to vector<16xi32>
      %xor3A_840 = arith.xori %bitcast3A_829, %or3A_838 : vector<16xi32>
      %bitcast3A_841 = vector.bitcast %xor3A_840 : vector<16xi32> to vector<16xf32>
      %and3A_842 = arith.constant 63 : i32
      %and3A_843 = vector.broadcast %and3A_842 : i32 to vector<16xi32>
      %and3A_844 = arith.andi %min3A_791, %and3A_843 : vector<16xi32>
      %xor3A_845 = arith.xori %min3A_791, %and3A_844 : vector<16xi32>
      %bitcast3A_846 = vector.bitcast %xor3A_845 : vector<16xi32> to vector<16xi32>
      %shift_right_arithmetic3A_847 = arith.constant 31 : i32
      %shift_right_arithmetic3A_848 = vector.broadcast %shift_right_arithmetic3A_847 : i32 to vector<16xi32>
      %shift_right_arithmetic3A_849 = arith.shrsi %bitcast3A_846, %shift_right_arithmetic3A_848 : vector<16xi32>
      %xor3A_850 = arith.constant -1 : i32
      %xor3A_851 = vector.broadcast %xor3A_850 : i32 to vector<16xi32>
      %xor3A_852 = arith.xori %shift_right_arithmetic3A_849, %xor3A_851 : vector<16xi32>
      %or3A_853 = arith.constant -2147483648 : i32
      %or3A_854 = vector.broadcast %or3A_853 : i32 to vector<16xi32>
      %or3A_855 = arith.ori %xor3A_852, %or3A_854 : vector<16xi32>
      %bitcast3A_856 = vector.bitcast %and3A_844 : vector<16xi32> to vector<16xi32>
      %xor3A_857 = arith.xori %bitcast3A_846, %or3A_855 : vector<16xi32>
      %bitcast3A_858 = vector.bitcast %xor3A_857 : vector<16xi32> to vector<16xf32>
      %and3A_859 = arith.constant 63 : i32
      %and3A_860 = vector.broadcast %and3A_859 : i32 to vector<16xi32>
      %and3A_861 = arith.andi %max3A_792, %and3A_860 : vector<16xi32>
      %xor3A_862 = arith.xori %max3A_792, %and3A_861 : vector<16xi32>
      %bitcast3A_863 = vector.bitcast %xor3A_862 : vector<16xi32> to vector<16xi32>
      %shift_right_arithmetic3A_864 = arith.constant 31 : i32
      %shift_right_arithmetic3A_865 = vector.broadcast %shift_right_arithmetic3A_864 : i32 to vector<16xi32>
      %shift_right_arithmetic3A_866 = arith.shrsi %bitcast3A_863, %shift_right_arithmetic3A_865 : vector<16xi32>
      %xor3A_867 = arith.constant -1 : i32
      %xor3A_868 = vector.broadcast %xor3A_867 : i32 to vector<16xi32>
      %xor3A_869 = arith.xori %shift_right_arithmetic3A_866, %xor3A_868 : vector<16xi32>
      %or3A_870 = arith.constant -2147483648 : i32
      %or3A_871 = vector.broadcast %or3A_870 : i32 to vector<16xi32>
      %or3A_872 = arith.ori %xor3A_869, %or3A_871 : vector<16xi32>
      %bitcast3A_873 = vector.bitcast %and3A_861 : vector<16xi32> to vector<16xi32>
      %xor3A_874 = arith.xori %bitcast3A_863, %or3A_872 : vector<16xi32>
      %bitcast3A_875 = vector.bitcast %xor3A_874 : vector<16xi32> to vector<16xf32>
      %and3A_876 = arith.constant 63 : i32
      %and3A_877 = vector.broadcast %and3A_876 : i32 to vector<16xi32>
      %and3A_878 = arith.andi %min3A_793, %and3A_877 : vector<16xi32>
      %xor3A_879 = arith.xori %min3A_793, %and3A_878 : vector<16xi32>
      %bitcast3A_880 = vector.bitcast %xor3A_879 : vector<16xi32> to vector<16xi32>
      %shift_right_arithmetic3A_881 = arith.constant 31 : i32
      %shift_right_arithmetic3A_882 = vector.broadcast %shift_right_arithmetic3A_881 : i32 to vector<16xi32>
      %shift_right_arithmetic3A_883 = arith.shrsi %bitcast3A_880, %shift_right_arithmetic3A_882 : vector<16xi32>
      %xor3A_884 = arith.constant -1 : i32
      %xor3A_885 = vector.broadcast %xor3A_884 : i32 to vector<16xi32>
      %xor3A_886 = arith.xori %shift_right_arithmetic3A_883, %xor3A_885 : vector<16xi32>
      %or3A_887 = arith.constant -2147483648 : i32
      %or3A_888 = vector.broadcast %or3A_887 : i32 to vector<16xi32>
      %or3A_889 = arith.ori %xor3A_886, %or3A_888 : vector<16xi32>
      %bitcast3A_890 = vector.bitcast %and3A_878 : vector<16xi32> to vector<16xi32>
      %xor3A_891 = arith.xori %bitcast3A_880, %or3A_889 : vector<16xi32>
      %bitcast3A_892 = vector.bitcast %xor3A_891 : vector<16xi32> to vector<16xf32>
      %and3A_893 = arith.constant 63 : i32
      %and3A_894 = vector.broadcast %and3A_893 : i32 to vector<16xi32>
      %and3A_895 = arith.andi %max3A_794, %and3A_894 : vector<16xi32>
      %xor3A_896 = arith.xori %max3A_794, %and3A_895 : vector<16xi32>
      %bitcast3A_897 = vector.bitcast %xor3A_896 : vector<16xi32> to vector<16xi32>
      %shift_right_arithmetic3A_898 = arith.constant 31 : i32
      %shift_right_arithmetic3A_899 = vector.broadcast %shift_right_arithmetic3A_898 : i32 to vector<16xi32>
      %shift_right_arithmetic3A_900 = arith.shrsi %bitcast3A_897, %shift_right_arithmetic3A_899 : vector<16xi32>
      %xor3A_901 = arith.constant -1 : i32
      %xor3A_902 = vector.broadcast %xor3A_901 : i32 to vector<16xi32>
      %xor3A_903 = arith.xori %shift_right_arithmetic3A_900, %xor3A_902 : vector<16xi32>
      %or3A_904 = arith.constant -2147483648 : i32
      %or3A_905 = vector.broadcast %or3A_904 : i32 to vector<16xi32>
      %or3A_906 = arith.ori %xor3A_903, %or3A_905 : vector<16xi32>
      %bitcast3A_907 = vector.bitcast %and3A_895 : vector<16xi32> to vector<16xi32>
      %xor3A_908 = arith.xori %bitcast3A_897, %or3A_906 : vector<16xi32>
      %bitcast3A_909 = vector.bitcast %xor3A_908 : vector<16xi32> to vector<16xf32>
      %and3A_910 = arith.constant 63 : i32
      %and3A_911 = vector.broadcast %and3A_910 : i32 to vector<16xi32>
      %and3A_912 = arith.andi %min3A_795, %and3A_911 : vector<16xi32>
      %xor3A_913 = arith.xori %min3A_795, %and3A_912 : vector<16xi32>
      %bitcast3A_914 = vector.bitcast %xor3A_913 : vector<16xi32> to vector<16xi32>
      %shift_right_arithmetic3A_915 = arith.constant 31 : i32
      %shift_right_arithmetic3A_916 = vector.broadcast %shift_right_arithmetic3A_915 : i32 to vector<16xi32>
      %shift_right_arithmetic3A_917 = arith.shrsi %bitcast3A_914, %shift_right_arithmetic3A_916 : vector<16xi32>
      %xor3A_918 = arith.constant -1 : i32
      %xor3A_919 = vector.broadcast %xor3A_918 : i32 to vector<16xi32>
      %xor3A_920 = arith.xori %shift_right_arithmetic3A_917, %xor3A_919 : vector<16xi32>
      %or3A_921 = arith.constant -2147483648 : i32
      %or3A_922 = vector.broadcast %or3A_921 : i32 to vector<16xi32>
      %or3A_923 = arith.ori %xor3A_920, %or3A_922 : vector<16xi32>
      %bitcast3A_924 = vector.bitcast %and3A_912 : vector<16xi32> to vector<16xi32>
      %xor3A_925 = arith.xori %bitcast3A_914, %or3A_923 : vector<16xi32>
      %bitcast3A_926 = vector.bitcast %xor3A_925 : vector<16xi32> to vector<16xf32>
      %sub3A = arith.subf %bitcast3A_807, %bitcast3A_807 : vector<16xf32>
      %exp3A = math.exp %sub3A : vector<16xf32>
      %sub3A_927 = arith.subf %bitcast3A_824, %bitcast3A_807 : vector<16xf32>
      %exp3A_928 = math.exp %sub3A_927 : vector<16xf32>
      %sub3A_929 = arith.subf %bitcast3A_841, %bitcast3A_807 : vector<16xf32>
      %exp3A_930 = math.exp %sub3A_929 : vector<16xf32>
      %sub3A_931 = arith.subf %bitcast3A_858, %bitcast3A_807 : vector<16xf32>
      %exp3A_932 = math.exp %sub3A_931 : vector<16xf32>
      %sub3A_933 = arith.subf %bitcast3A_875, %bitcast3A_807 : vector<16xf32>
      %exp3A_934 = math.exp %sub3A_933 : vector<16xf32>
      %sub3A_935 = arith.subf %bitcast3A_892, %bitcast3A_807 : vector<16xf32>
      %exp3A_936 = math.exp %sub3A_935 : vector<16xf32>
      %sub3A_937 = arith.subf %bitcast3A_909, %bitcast3A_807 : vector<16xf32>
      %exp3A_938 = math.exp %sub3A_937 : vector<16xf32>
      %sub3A_939 = arith.subf %bitcast3A_926, %bitcast3A_807 : vector<16xf32>
      %exp3A_940 = math.exp %sub3A_939 : vector<16xf32>
      %add3A_941 = arith.addf %exp3A, %exp3A_928 : vector<16xf32>
      %add3A_942 = arith.addf %add3A_941, %exp3A_930 : vector<16xf32>
      %add3A_943 = arith.addf %add3A_942, %exp3A_932 : vector<16xf32>
      %add3A_944 = arith.addf %add3A_943, %exp3A_934 : vector<16xf32>
      %add3A_945 = arith.addf %add3A_944, %exp3A_936 : vector<16xf32>
      %add3A_946 = arith.addf %add3A_945, %exp3A_938 : vector<16xf32>
      %add3A_947 = arith.addf %add3A_946, %exp3A_940 : vector<16xf32>
      %div3A = arith.constant 1.000000e+00 : f32
      %div3A_948 = vector.broadcast %div3A : f32 to vector<16xf32>
      %div3A_949 = arith.divf %div3A_948, %add3A_947 : vector<16xf32>
      %mul3A_950 = arith.constant 128 : i32
      %mul3A_951 = arith.muli %scan3A_12, %mul3A_950 : i32
      %add3A_952 = vector.broadcast %mul3A_951 : i32 to vector<16xi32>
      %add3A_953 = arith.addi %mul3A_5, %add3A_952 : vector<16xi32>
      %add3A_954 = arith.constant 0 : i32
      %add3A_955 = vector.broadcast %add3A_954 : i32 to vector<16xi32>
      %add3A_956 = arith.addi %add3A_953, %add3A_955 : vector<16xi32>
      %mul3A_957 = arith.mulf %exp3A, %div3A_949 : vector<16xf32>
      tpu.vector_store_idx %arg6[%add3A_956], %mul3A_957 : memref<8192xf32, #tpu.memory_space<vmem>>[vector<16xi32>], vector<16xf32>,
      tpu.vector_store_idx %arg7[%add3A_956], %bitcast3A_805 : memref<8192xi32, #tpu.memory_space<vmem>>[vector<16xi32>], vector<16xi32>,
      %add3A_958 = arith.constant 1 : i32
      %add3A_959 = vector.broadcast %add3A_958 : i32 to vector<16xi32>
      %add3A_960 = arith.addi %add3A_953, %add3A_959 : vector<16xi32>
      %mul3A_961 = arith.mulf %exp3A_928, %div3A_949 : vector<16xf32>
      tpu.vector_store_idx %arg6[%add3A_960], %mul3A_961 : memref<8192xf32, #tpu.memory_space<vmem>>[vector<16xi32>], vector<16xf32>,
      tpu.vector_store_idx %arg7[%add3A_960], %bitcast3A_822 : memref<8192xi32, #tpu.memory_space<vmem>>[vector<16xi32>], vector<16xi32>,
      %add3A_962 = arith.constant 2 : i32
      %add3A_963 = vector.broadcast %add3A_962 : i32 to vector<16xi32>
      %add3A_964 = arith.addi %add3A_953, %add3A_963 : vector<16xi32>
      %mul3A_965 = arith.mulf %exp3A_930, %div3A_949 : vector<16xf32>
      tpu.vector_store_idx %arg6[%add3A_964], %mul3A_965 : memref<8192xf32, #tpu.memory_space<vmem>>[vector<16xi32>], vector<16xf32>,
      tpu.vector_store_idx %arg7[%add3A_964], %bitcast3A_839 : memref<8192xi32, #tpu.memory_space<vmem>>[vector<16xi32>], vector<16xi32>,
      %add3A_966 = arith.constant 3 : i32
      %add3A_967 = vector.broadcast %add3A_966 : i32 to vector<16xi32>
      %add3A_968 = arith.addi %add3A_953, %add3A_967 : vector<16xi32>
      %mul3A_969 = arith.mulf %exp3A_932, %div3A_949 : vector<16xf32>
      tpu.vector_store_idx %arg6[%add3A_968], %mul3A_969 : memref<8192xf32, #tpu.memory_space<vmem>>[vector<16xi32>], vector<16xf32>,
      tpu.vector_store_idx %arg7[%add3A_968], %bitcast3A_856 : memref<8192xi32, #tpu.memory_space<vmem>>[vector<16xi32>], vector<16xi32>,
      %add3A_970 = arith.constant 4 : i32
      %add3A_971 = vector.broadcast %add3A_970 : i32 to vector<16xi32>
      %add3A_972 = arith.addi %add3A_953, %add3A_971 : vector<16xi32>
      %mul3A_973 = arith.mulf %exp3A_934, %div3A_949 : vector<16xf32>
      tpu.vector_store_idx %arg6[%add3A_972], %mul3A_973 : memref<8192xf32, #tpu.memory_space<vmem>>[vector<16xi32>], vector<16xf32>,
      tpu.vector_store_idx %arg7[%add3A_972], %bitcast3A_873 : memref<8192xi32, #tpu.memory_space<vmem>>[vector<16xi32>], vector<16xi32>,
      %add3A_974 = arith.constant 5 : i32
      %add3A_975 = vector.broadcast %add3A_974 : i32 to vector<16xi32>
      %add3A_976 = arith.addi %add3A_953, %add3A_975 : vector<16xi32>
      %mul3A_977 = arith.mulf %exp3A_936, %div3A_949 : vector<16xf32>
      tpu.vector_store_idx %arg6[%add3A_976], %mul3A_977 : memref<8192xf32, #tpu.memory_space<vmem>>[vector<16xi32>], vector<16xf32>,
      tpu.vector_store_idx %arg7[%add3A_976], %bitcast3A_890 : memref<8192xi32, #tpu.memory_space<vmem>>[vector<16xi32>], vector<16xi32>,
      %add3A_978 = arith.constant 6 : i32
      %add3A_979 = vector.broadcast %add3A_978 : i32 to vector<16xi32>
      %add3A_980 = arith.addi %add3A_953, %add3A_979 : vector<16xi32>
      %mul3A_981 = arith.mulf %exp3A_938, %div3A_949 : vector<16xf32>
      tpu.vector_store_idx %arg6[%add3A_980], %mul3A_981 : memref<8192xf32, #tpu.memory_space<vmem>>[vector<16xi32>], vector<16xf32>,
      tpu.vector_store_idx %arg7[%add3A_980], %bitcast3A_907 : memref<8192xi32, #tpu.memory_space<vmem>>[vector<16xi32>], vector<16xi32>,
      %add3A_982 = arith.constant 7 : i32
      %add3A_983 = vector.broadcast %add3A_982 : i32 to vector<16xi32>
      %add3A_984 = arith.addi %add3A_953, %add3A_983 : vector<16xi32>
      %mul3A_985 = arith.mulf %exp3A_940, %div3A_949 : vector<16xf32>
      tpu.vector_store_idx %arg6[%add3A_984], %mul3A_985 : memref<8192xf32, #tpu.memory_space<vmem>>[vector<16xi32>], vector<16xf32>,
      tpu.vector_store_idx %arg7[%add3A_984], %bitcast3A_924 : memref<8192xi32, #tpu.memory_space<vmem>>[vector<16xi32>], vector<16xi32>,
    }
    %scan3A_9 = arith.constant 64 : i32
    %mul3A_10 = arith.constant 8192 : i32
    %mul3A_11 = arith.muli %add3A, %mul3A_10 : i32
    "tpu.region"() ({
      %run_scoped3A = tpu.sem_alloc : memref<!tpu.dma_semaphore, #tpu.memory_space<semaphore_mem>>
      %dma_start3A = tpu.memref_slice %arg3[%mul3A_11] : memref<262144xf32, #tpu.memory_space<hbm>> -> memref<8192xf32, #tpu.memory_space<hbm>>
      %dma_start3A_12 = tpu.memref_slice %arg3[%mul3A_11] : memref<262144xf32, #tpu.memory_space<hbm>> -> memref<8192xf32, #tpu.memory_space<hbm>>
      tpu.enqueue_dma source(%arg6 : memref<8192xf32, #tpu.memory_space<vmem>>) target(%dma_start3A_12 : memref<8192xf32, #tpu.memory_space<hbm>>) target_semaphore(%run_scoped3A : memref<!tpu.dma_semaphore, #tpu.memory_space<semaphore_mem>>)
      %dma_wait3A = tpu.memref_slice %arg3[%mul3A_11] : memref<262144xf32, #tpu.memory_space<hbm>> -> memref<8192xf32, #tpu.memory_space<hbm>>
      %dma_wait3A_13 = tpu.memref_slice %arg3[%mul3A_11] : memref<262144xf32, #tpu.memory_space<hbm>> -> memref<8192xf32, #tpu.memory_space<hbm>>
      tpu.wait_dma2 semaphore(%run_scoped3A : memref<!tpu.dma_semaphore, #tpu.memory_space<semaphore_mem>>) src(%arg6 : memref<8192xf32, #tpu.memory_space<vmem>>) dst(%dma_wait3A_13 : memref<8192xf32, #tpu.memory_space<hbm>>)
      tpu.yield
    }) : () -> ()
    "tpu.region"() ({
      %run_scoped3A = tpu.sem_alloc : memref<!tpu.dma_semaphore, #tpu.memory_space<semaphore_mem>>
      %dma_start3A = tpu.memref_slice %arg4[%mul3A_11] : memref<262144xi32, #tpu.memory_space<hbm>> -> memref<8192xi32, #tpu.memory_space<hbm>>
      %dma_start3A_12 = tpu.memref_slice %arg4[%mul3A_11] : memref<262144xi32, #tpu.memory_space<hbm>> -> memref<8192xi32, #tpu.memory_space<hbm>>
      tpu.enqueue_dma source(%arg7 : memref<8192xi32, #tpu.memory_space<vmem>>) target(%dma_start3A_12 : memref<8192xi32, #tpu.memory_space<hbm>>) target_semaphore(%run_scoped3A : memref<!tpu.dma_semaphore, #tpu.memory_space<semaphore_mem>>)
      %dma_wait3A = tpu.memref_slice %arg4[%mul3A_11] : memref<262144xi32, #tpu.memory_space<hbm>> -> memref<8192xi32, #tpu.memory_space<hbm>>
      %dma_wait3A_13 = tpu.memref_slice %arg4[%mul3A_11] : memref<262144xi32, #tpu.memory_space<hbm>> -> memref<8192xi32, #tpu.memory_space<hbm>>
      tpu.wait_dma2 semaphore(%run_scoped3A : memref<!tpu.dma_semaphore, #tpu.memory_space<semaphore_mem>>) src(%arg7 : memref<8192xi32, #tpu.memory_space<vmem>>) dst(%dma_wait3A_13 : memref<8192xi32, #tpu.memory_space<hbm>>)
      tpu.yield
    }) : () -> ()
    return
  }
}

module attributes {stable_mosaic.version = 14 : i64} {
  func.func @_keys_body(%arg0: i32, %arg1: memref<2048x768xf32, #tpu.memory_space<vmem>>, %arg2: memref<64x768xf32, #tpu.memory_space<vmem>>, %arg3: memref<64x1xf32, #tpu.memory_space<vmem>>, %arg4: memref<64x2048xi32, #tpu.memory_space<vmem>>) attributes {dimension_semantics = [#tpu.dimension_semantics<arbitrary>], iteration_bounds = array<i64: 16>, scalar_prefetch = 0 : i64, scratch_operands = 0 : i64, tpu.core_type = #tpu.core_type<tc>, window_params = [{transform_indices = @transform_0, window_bounds = array<i64: 2048, 768>}, {pipeline_mode = #tpu.pipeline_mode<synchronous>, transform_indices = @transform_1, window_bounds = array<i64: 64, 768>}, {pipeline_mode = #tpu.pipeline_mode<synchronous>, transform_indices = @transform_2, window_bounds = array<i64: 64, 1>}, {transform_indices = @transform_3, window_bounds = array<i64: 64, 2048>}]} {
    %get3A = arith.constant 0 : index
    %get3A_0 = arith.constant 0 : index
    %get3A_1 = vector.load %arg1[%get3A, %get3A_0] : memref<2048x768xf32, #tpu.memory_space<vmem>>, vector<2048x768xf32>
    %get3A_2 = arith.constant 0 : index
    %get3A_3 = arith.constant 0 : index
    %get3A_4 = vector.load %arg2[%get3A_2, %get3A_3] : memref<64x768xf32, #tpu.memory_space<vmem>>, vector<64x768xf32>
    %dot_general3A = arith.constant dense<0.000000e+00> : vector<64x2048xf32>
    %dot_general3A_5 = tpu.matmul %get3A_4, %get3A_1, %dot_general3A {dimension_numbers = #tpu.dot_dimension_numbers<[1], [1], [0], [0], [0, 0, 1, 0], [], []>, transpose_lhs_hint = false} : vector<64x768xf32>, vector<2048x768xf32>, vector<64x2048xf32> -> vector<64x2048xf32>
    %get3A_6 = arith.constant 0 : index
    %get3A_7 = arith.constant 0 : index
    %get3A_8 = vector.load %arg3[%get3A_6, %get3A_7] : memref<64x1xf32, #tpu.memory_space<vmem>>, vector<64x1xf32>
    %add3A = vector.broadcast %get3A_8 : vector<64x1xf32> to vector<64x2048xf32>
    %add3A_9 = arith.addf %dot_general3A_5, %add3A : vector<64x2048xf32>
    %bitcast_convert_type3A = tpu.bitcast %add3A_9 : vector<64x2048xf32> -> vector<64x2048xi32>
    %shift_right_arithmetic3A = arith.constant 31 : i32
    %shift_right_arithmetic3A_10 = vector.broadcast %shift_right_arithmetic3A : i32 to vector<64x2048xi32>
    %shift_right_arithmetic3A_11 = arith.shrsi %bitcast_convert_type3A, %shift_right_arithmetic3A_10 : vector<64x2048xi32>
    %or3A = arith.constant -2147483648 : i32
    %or3A_12 = vector.broadcast %or3A : i32 to vector<64x2048xi32>
    %or3A_13 = arith.ori %shift_right_arithmetic3A_11, %or3A_12 : vector<64x2048xi32>
    %xor3A = arith.xori %bitcast_convert_type3A, %or3A_13 : vector<64x2048xi32>
    %bitcast_convert_type3A_14 = tpu.bitcast %xor3A : vector<64x2048xi32> -> vector<64x2048xi32>
    %iota3A = tpu.iota {dimensions = array<i32: 0>} : vector<64x2048xi32>
    %and3A = arith.constant -64 : i32
    %and3A_15 = vector.broadcast %and3A : i32 to vector<64x2048xi32>
    %and3A_16 = arith.andi %bitcast_convert_type3A_14, %and3A_15 : vector<64x2048xi32>
    %or3A_17 = arith.ori %and3A_16, %iota3A : vector<64x2048xi32>
    %swap3A = arith.constant 0 : index
    %swap3A_18 = arith.constant 0 : index
    %swap3A_19 = vector.load %arg4[%swap3A, %swap3A_18] : memref<64x2048xi32, #tpu.memory_space<vmem>>, vector<64x2048xi32>
    tpu.vector_store %arg4[%swap3A, %swap3A_18], %or3A_17 {strides = array<i32>} : memref<64x2048xi32, #tpu.memory_space<vmem>>, vector<64x2048xi32>,
    return
  }
  func.func @transform_0(%arg0: i32) -> (i32, i32) {
    %c0_i32 = arith.constant 0 : i32
    %c0_i32_0 = arith.constant 0 : i32
    return %arg0, %c0_i32 : i32, i32
  }
  func.func @transform_1(%arg0: i32) -> (i32, i32) {
    %c0_i32 = arith.constant 0 : i32
    %c0_i32_0 = arith.constant 0 : i32
    %c0_i32_1 = arith.constant 0 : i32
    return %c0_i32, %c0_i32_0 : i32, i32
  }
  func.func @transform_2(%arg0: i32) -> (i32, i32) {
    %c0_i32 = arith.constant 0 : i32
    %c0_i32_0 = arith.constant 0 : i32
    %c0_i32_1 = arith.constant 0 : i32
    return %c0_i32, %c0_i32_0 : i32, i32
  }
  func.func @transform_3(%arg0: i32) -> (i32, i32) {
    %c0_i32 = arith.constant 0 : i32
    %c0_i32_0 = arith.constant 0 : i32
    return %c0_i32, %arg0 : i32, i32
  }
}

</mosaic_0001>

<sc_bundles>
// kernel: kernel.4.cloned.1.call-start
scs
__scs_entry_jumppad:
0x0: {  	(pc) =	sbr.rel $0x88, $3  }
0x1: {  	(tag) =	ssettag $0x0;
	lr =	simm.s32 $0x1  }
0x2: {  	[smem:$0x3F9E] =	sst lr;
	_ =	strace $0xD0000000  }
0x3: {  	_ = 	snop  }
0x4: {  	_ = 	snop  }
0x5: {  	_ = 	snop  }
0x6: {  	_ = 	snop  }
0x7: {  	_ = 	snop  }
__scs_overlays_trampoline_lowered:
0x8: {  	[smem:$0x3FAD] =	sst s0  }
0x9: {  	[smem:$0x3FAE] =	sst s1  }
0xa: {  	[smem:$0x3FAF] =	sst s2  }
0xb: {  	[smem:$0x3FB0] =	sst s3  }
0xc: {  	[smem:$0x3FB1] =	sst s4  }
0xd: {  	[smem:$0x3FB2] =	sst s5  }
0xe: {  	[smem:$0x3FB3] =	sst s6  }
0xf: {  	[smem:$0x3FB4] =	sst s7  }
0x10: {  	[smem:$0x3FB5] =	sst s8  }
0x11: {  	[smem:$0x3FB6] =	sst s9;
	s0 =	simm.s32 @!p0 $0x0  }
0x12: {  	s1 =	sld [smem:$0x3F9C];
	s0 =	simm.s32 @p0 $0x1  }
0x13: {  	[smem:$0x3FB7] =	sst s0;
	s0 =	simm.s32 @!p1 $0x0  }
0x14: {  	s2 =	sld [smem:$0x3F9B];
	s0 =	simm.s32 @p1 $0x1  }
0x15: {  	[smem:$0x3FB8] =	sst s0;
	s0 =	simm.s32 @!p2 $0x0  }
0x16: {  	s3 =	sld [smem:$0x3FDB];
	s0 =	simm.s32 @p2 $0x1  }
0x17: {  	s4 =	simm.s32 $0x1BF5;
	[smem:$0x3FBA] =	sst s0  }
0x18: {  	s0 =	sld [smem:$0x3F9D];
	_ =	swait.ge [sflag:s4], $0x0  }
0x19: {  	s7 =	sld [smem:$0x3F9E]  }
0x1a: {  	s8 =	sadd.s32 $0xFFFFE003, lr  }
0x1b: {  	s9 =	sadd.s32 $0xFFFFFEF7, lr;
	s5 =	simm.s32 $0xFFFFFFFF;
	p2 =	slt.u32 s8, $0xFFFFF086  }
0x1c: {  	p1 =	slt.u32 s9, $0xF7A;
	s5 =	simm.s32 @!p2 $0x0  }
0x1d: {  	s5 =	simm.s32 @p1 $0x1;
	p0 =	seq.s32 s7, s2  }
0x1e: {  	s7 =	smul.u32 @!p0 $0xF7A, s2;
	p2 =	seq.s32 @!p0 s5, $0x0  }
0x1f: {  	s9 =	smul.u32 $0xF7A, s1;
	s8 =	simm.s32 @!p0 $0x1BF5;
	p2 =	por !p2, p0  }
0x20: {  	[sflag:s8] =	ssyncset.s32 @!p0 $0xFFFFF086;
	s6 =	sadd.s32 @!p0 s3, s7;
	s7 =	simm.s32 @!p0 $0x108  }
0x21: {  	s3 =	sadd.s32 s3, s9;
	s6 =	sadd.s32 @!p0 $0x88, s6;
	s7 =	simm.s32 @p2 $0x1082  }
0x22: {  	[simem:s7], [sflag:s8] =	dma.local @!p0 [hbm:s6], $0xF7A  }
0x23: {  	s9 =	sor.u32 $0xD0000000, s2;
	s6 =	simm.s32 $0x108;
	_ =	swait.ge @!p0 [sflag:s8], $0x0  }
0x24: {  	s3 =	sadd.s32 $0x88, s3;
	s6 =	simm.s32 @!p1 $0x1082;
	[sflag:s4] =	ssyncset.s32 $0xFFFFF086  }
0x25: {  	[simem:s6], [sflag:s4] =	dma.local [hbm:s3], $0xF7A  }
0x26: {  	[smem:$0x3F9E] =	sst s1;
	(tag) =	ssettag s2;
	_ =	strace s9  }
0x27: {  	s1 =	sld [smem:$0x3FAE]  }
0x28: {  	s2 =	sld [smem:$0x3FAF]  }
0x29: {  	s4 =	sld [smem:$0x3FB1]  }
0x2a: {  	p0 =	seq.s32 s5, $0x0;
	s5 =	sld [smem:$0x3FB2]  }
0x2b: {  	s6 =	sld [smem:$0x3FB3]  }
0x2c: {  	s7 =	sld [smem:$0x3FB4]  }
0x2d: {  	s3 =	simm.s32 $0x108;
	s8 =	sld [smem:$0x3FB5]  }
0x2e: {  	s3 =	simm.s32 @!p0 $0x1082;
	s9 =	sld [smem:$0x3FB6]  }
0x2f: {  	lr =	sadd.s32 s0, s3;
	s0 =	sld [smem:$0x3FAD]  }
0x30: {  	s3 =	sld [smem:$0x3FB0]  }
0x31: {  	[smem:$0x3FB9] =	sst s10  }
0x32: {  	s10 =	sld [smem:$0x3FB7];
	_ =	sdelay $0x3  }
0x33: {  	p0 =	seq.s32 s10, $0x1;
	s10 =	sld [smem:$0x3FB9];
	_ =	sdelay $0x3  }
0x34: {  	[smem:$0x3FB9] =	sst s10  }
0x35: {  	s10 =	sld [smem:$0x3FB8];
	_ =	sdelay $0x3  }
0x36: {  	p1 =	seq.s32 s10, $0x1;
	s10 =	sld [smem:$0x3FB9];
	_ =	sdelay $0x3  }
0x37: {  	[smem:$0x3FB9] =	sst s10  }
0x38: {  	s10 =	sld [smem:$0x3FBA]  }
0x39: {  	_ = 	snop;
	(pc) =	sbr.ind lr, $3  }
0x3a: {  	_ = 	snop  }
0x3b: {  	_ = 	snop  }
0x3c: {  	p2 =	seq.s32 s10, $0x1;
	s10 =	sld [smem:$0x3FB9]  }
0x3d: {  	_ =	shalt  }
0x3e: {  	_ =	shalt  }
0x3f: {  	_ =	shalt  }
0x40: {  	_ =	shalt  }
0x41: {  	_ =	shalt  }
0x42: {  	_ =	shalt  }
0x43: {  	_ =	shalt  }
0x44: {  	_ =	shalt  }
0x45: {  	_ =	shalt  }
0x46: {  	_ =	shalt  }
0x47: {  	_ =	shalt  }
0x48: {  	_ =	shalt  }
0x49: {  	_ =	shalt  }
0x4a: {  	_ =	shalt  }
0x4b: {  	_ =	shalt  }
0x4c: {  	_ =	shalt  }
0x4d: {  	_ =	shalt  }
0x4e: {  	_ =	shalt  }
0x4f: {  	_ =	shalt  }
0x50: {  	_ =	shalt  }
0x51: {  	_ =	shalt  }
0x52: {  	_ =	shalt  }
0x53: {  	_ =	shalt  }
0x54: {  	_ =	shalt  }
0x55: {  	_ =	shalt  }
0x56: {  	_ =	shalt  }
0x57: {  	_ =	shalt  }
0x58: {  	_ =	shalt  }
0x59: {  	_ =	shalt  }
0x5a: {  	_ =	shalt  }
0x5b: {  	_ =	shalt  }
0x5c: {  	_ =	shalt  }
0x5d: {  	_ =	shalt  }
0x5e: {  	_ =	shalt  }
0x5f: {  	_ =	shalt  }
0x60: {  	_ =	shalt  }
0x61: {  	_ =	shalt  }
0x62: {  	_ =	shalt  }
0x63: {  	_ =	shalt  }
0x64: {  	_ =	shalt  }
0x65: {  	_ =	shalt  }
0x66: {  	_ =	shalt  }
0x67: {  	_ =	shalt  }
0x68: {  	_ =	shalt  }
0x69: {  	_ =	shalt  }
0x6a: {  	_ =	shalt  }
0x6b: {  	_ =	shalt  }
0x6c: {  	_ =	shalt  }
0x6d: {  	_ =	shalt  }
0x6e: {  	_ =	shalt  }
0x6f: {  	_ =	shalt  }
0x70: {  	_ =	shalt  }
0x71: {  	_ =	shalt  }
0x72: {  	_ =	shalt  }
0x73: {  	_ =	shalt  }
0x74: {  	_ =	shalt  }
0x75: {  	_ =	shalt  }
0x76: {  	_ =	shalt  }
0x77: {  	_ =	shalt  }
0x78: {  	_ =	shalt  }
0x79: {  	_ =	shalt  }
0x7a: {  	_ =	shalt  }
0x7b: {  	_ =	shalt  }
0x7c: {  	_ =	shalt  }
0x7d: {  	_ =	shalt  }
0x7e: {  	_ =	shalt  }
0x7f: {  	_ =	shalt  }
0x80: {  	_ =	shalt  }
0x81: {  	_ =	shalt  }
0x82: {  	_ =	shalt  }
0x83: {  	_ =	shalt  }
0x84: {  	_ =	shalt  }
0x85: {  	_ =	shalt  }
0x86: {  	_ =	shalt  }
0x87: {  	_ =	shalt  }
.Lfunc_end0:
.L_simem_size_0:
called_computation_lowered:
.L_overlay_start_0:
0x88: {  	s2 =	sld [smem:$0x3FD9]  }
0x89: {  	s3 =	sld [smem:$0x3FFE];
	_ =	sdelay $0x1  }
0x8a: {  	s1 =	srdreg.scid  }
0x8b: {  	s0 =	sand.u32 $0x1, s1  }
0x8c: {  	s14 =	sshll.u32 s0, $0xA;
	s2 =	sadd.s32 s3, s2  }
0x8d: {  	s2 =	sadd.s32 s2, s14  }
0x8e: {  	[smem:$0x3FC5] =	sst s2  }
0x8f: {  	_ = 	snop  }
0x90: {  	s2 =	sld [smem:$0x3FD0];
	_ =	sdelay $0x2  }
0x91: {  	s15 =	simm.s32 $0xA;
	s4 =	simm.s32 $0x10  }
0x92: {  	[smem:s4], [sflag:s15] =	dma.local [hbm:s2], $0x1  }
0x93: {  	_ =	swait.eq [sflag:s15], $0x1  }
0x94: {  	[sflag:s15] =	ssyncset.done $0x0  }
0x95: {  	[sflag:s15] =	ssyncadd.s32 $0xFFFFFFFF  }
0x96: {  	s16 =	sld [smem:$0x11];
	(tm) =	ssettm $0x1  }
0x97: {  	s17 =	sld [smem:$0x3FFB];
	_ =	sdelay $0x3  }
0x98: {  	_ =	strace s17  }
0x99: {  	s3 =	sld [smem:$0x3FFC];
	_ =	sdelay $0x3  }
0x9a: {  	_ =	strace s3  }
0x9b: {  	s3 =	sld [smem:$0x3FFD];
	_ =	sdelay $0x3  }
0x9c: {  	_ =	strace s3  }
0x9d: {  	_ =	strace $0x8FFFFFFF  }
0x9e: {  	s18 =	sld [smem:$0x3FDB];
	_ =	sdelay $0x1  }
0x9f: {  	s19 =	simm.s32 $_scs_section_size  }
0xa0: {  	s5 =	simm.s32 $_size__tile_overlayer_lowered;
	s6 =	simm.s32 $_tile_overlayer_lowered  }
0xa1: {  	s22 =	simm.s32 $0x1BFF;
	s21 =	sshll.u32 s6, $0x1;
	s3 =	sadd.s32 s19, s18  }
0xa2: {  	s7 =	simm.s32 $0x0;
	s20 =	sshll.u32 s5, $0x1;
	s5 =	sadd.s32 s21, s3  }
0xa3: {  	[timem:s7], [sflag:s22] =	dma.local [hbm:s5], s20  }
0xa4: {  	_ =	swait.ge [sflag:s22], s20  }
0xa5: {  	s4 =	ssub.s32 $0x0, s20;
	[sflag:s22] =	ssyncset.done $0x0  }
0xa6: {  	[sflag:s22] =	ssyncadd.s32 s4;
	_ =	sdelay $0x1  }
0xa7: {  	s23 =	simm.s32 $0x1B8B  }
0xa8: {  	_ =	swait.ge [sflag:s23], $0x1  }
0xa9: {  	[sflag:s23] =	ssyncset.done $0x0  }
0xaa: {  	s25 =	simm.s32 $0x1B8E;
	s24 =	sld [smem:$0x3FFE];
	[sflag:s23] =	ssyncadd.s32 $0xFFFFFFFF  }
0xab: {  	s26 =	simm.s32 $execute0_lowered;
	[smem:$0x3FD2] =	sst s25  }
0xac: {  	s5 =	sshll.u32 s26, $0x1;
	_ =	strace $0x80000046;
	[dreg:$0x1] =	wrdreg $0xFFFFFFFF  }
0xad: {  	s28 =	simm.s32 $_size_execute0_lowered;
	s3 =	sadd.s32 s3, s5;
	[dreg:$0x0] =	wrdreg $0x0  }
0xae: {  	s5 =	sshll.u32 s28, $0x1;
	[dreg:$0x2] =	wrdreg s3  }
0xaf: {  	[dreg:$0x3] =	wrdreg s5  }
0xb0: {  	[dreg:$0x4] =	wrdreg $0xC0  }
0xb1: {  	_ =	task [dreg:s7], $0x5FFFF  }
0xb2: {  	[dreg:$0x1] =	wrdreg $0xFFFFFFFF  }
0xb3: {  	[dreg:$0x0] =	wrdreg $0x60  }
0xb4: {  	[dreg:$0x2] =	wrdreg s24  }
0xb5: {  	[dreg:$0x3] =	wrdreg s16  }
0xb6: {  	[dreg:$0x4] =	wrdreg $0x9  }
0xb7: {  	_ =	task.clear_ibuf [dreg:s7], $0x5FFFF;
	_ =	strace $0x90000046  }
0xb8: {  	s29 =	simm.s32 $0x9;
	_ =	strace $0x80000048  }
0xb9: {  	_ =	swait.ge [sflag:s29], $0x1  }
0xba: {  	[sflag:s29] =	ssyncadd.s32 $0xFFFFFFFF  }
0xbb: {  	_ =	strace $0x90000048  }
0xbc: {  	_ =	sfence  }
0xbd: {  	s30 =	sld [smem:$0x0];
	_ =	sdelay $0x2  }
0xbe: {  	s31 =	sshll.u32 s1, $0xD;
	s1 =	sshrl.u32 s1, $0x2  }
0xbf: {  	s3 =	sand.u32 $0x4000, s31;
	s1 =	sadd.s32 s1, s30  }
0xc0: {  	s0 =	sor.u32 s3, s0;
	s1 =	sshll.u32 s1, $0x11  }
0xc1: {  	s0 =	sor.u32 s1, s0  }
0xc2: {  	s0 =	sadd.s32 $0x8F2B, s0  }
0xc3: {  	[sflag:s0] =	ssyncadd.remote.s32 $0x1  }
0xc4: {  	_ =	sfence.sel $0xFFFF  }
0xc5: {  	[dreg:$0x0] =	wrdreg $0xFFFFFFFF;
	(pc) =	sbr.abs _section_cstart, $3  }
0xc6: {  	[dreg:$0x1] =	wrdreg $0xFFFFFFFF  }
0xc7: {  	_ =	task.clear_ibuf [dreg:s7], $0x2FFFF;
	_ =	strace $0x9FFFFFFF  }
0xc8: {  	(tm) =	ssettm $0x7FFFFFFF  }
0xc9: {  	_ =	shalt  }
tec
execute0_lowered:
.L_overlay_start_1:
0x0: {  	(tag) =	ssettag $0x1  }
0x1: {  	s3 =	rddreg [dreg:$0x0];
	s0 =	srdreg.scid  }
0x2: {  	s4 =	rddreg [dreg:$0x1];
	s1 =	stileid.u32;
	s2 =	simm.s32 $0x0  }
0x3: {  	s9 =	simm.s32 $0x1;
	s10 =	simm.s32 $0x10000;
	s11 =	simm.s32 $0x12000  }
0x4: {  	v0 =	vlaneseq.u32;
	s12 =	simm.s32 $0x0;
	s5 =	sand.u32 $0x1, s0;
	s0 =	rddreg [dreg:$0x2]  }
0x5: {  	s6 =	sshll.u32 s1, $0xB;
	v0 =	vmul.u32 $0x8, v0;
	s7 =	sshll.u32 s5, $0xA;
	s5 =	ssub.s32 $0x2, s5  }
0x6: {  	[smem:$0x7FF] =	sst s2;
	s6 =	sor.u32 s7, s6;
	s31 =	sshrl.u32 s5, $0x1  }
0x7: {  	v1 =	vimm.s32 $0x80000000;
	_ =	strace $0x80000047;
	v2 =	vor.u32 $0x1, v0;
	s7 =	sadd.s32 s6, s3;
	s8 =	ssub.s32 s5, s31  }
0x8: {  	v3 =	vor.u32 $0x2, v0;
	v4 =	vor.u32 $0x3, v0;
	v5 =	vor.u32 $0x4, v0;
	s4 =	sadd.s32 s4, s6;
	s3 =	sadd.s32 $0xE00, s7;
	s5 =	sadd.s32 $0x40E00, s7  }
0x9: {  	v6 =	vor.u32 $0x5, v0;
	v7 =	vor.u32 $0x6, v0;
	v8 =	vor.u32 $0x7, v0;
	s6 =	smax.u32 s8, $0x1;
	s7 =	simm.s32 $0x2000;
	s8 =	simm.s32 $0x40000  }
.LBB2_1:
0xa: {  	[tilespmem:s2], [sflag:$0x1] =	stream.strided.gather [hbm4b:s3+s7], $0x10000, s8, s7, $0x38;
	[tilespmem:$0x14000] =	vst v63  }
0xb: {  	_ =	swait.ge [sflag:s9], $0x10000  }
0xc: {  	[sflag:s9] =	ssyncset.done $0x0  }
0xd: {  	s13 =	simm.s32 $0x0;
	s14 =	simm.s32 $0x0;
	[sflag:s9] =	ssyncadd.s32 $0xFFFF0000  }
.LBB2_2:
0xe: {  	s15 =	sand.u32 $0x70, s14;
	s16 =	sand.u32 $0x1C00, s13  }
0xf: {  	s15 =	sor.u32 s15, s16  }
0x10: {  	v9 =	vld [tilespmem:s15+$0x0]  }
0x11: {  	v10 =	vld [tilespmem:s15+$0x80]  }
0x12: {  	v11 =	vld [tilespmem:s15+$0x100]  }
0x13: {  	v12 =	vld [tilespmem:s15+$0x180]  }
0x14: {  	v13 =	vld [tilespmem:s15+$0x200]  }
0x15: {  	s31 =	sor.u32 s13, s14;
	v14 =	vld [tilespmem:s15+$0x280]  }
0x16: {  	s16 =	sor.u32 $0x380, s31;
	v15 =	vld [tilespmem:s15+$0x300]  }
0x17: {  	v16 =	vld [tilespmem:s16+$0x0]  }
0x18: {  	v35 =	vld [tilespmem:s15+$0x2000]  }
0x19: {  	v19 =	vld [tilespmem:s15+$0x2080]  }
0x1a: {  	v37 =	vld [tilespmem:s15+$0x2100]  }
0x1b: {  	v21 =	vld [tilespmem:s15+$0x2180]  }
0x1c: {  	v40 =	vld [tilespmem:s15+$0x2200]  }
0x1d: {  	v23 =	vld [tilespmem:s15+$0x2280]  }
0x1e: {  	v43 =	vld [tilespmem:s15+$0x2300]  }
0x1f: {  	v25 =	vld [tilespmem:s15+$0x2380]  }
0x20: {  	v17 =	vmax.u32 v9, v10  }
0x21: {  	v9 =	vmin.u32 v9, v10;
	v10 =	vmax.u32 v11, v12;
	v11 =	vmin.u32 v11, v12  }
0x22: {  	v32 =	vmax.u32 v13, v14;
	v13 =	vmin.u32 v13, v14;
	v33 =	vmax.u32 v15, v16  }
0x23: {  	v15 =	vmin.u32 v15, v16;
	v48 =	vmax.u32 v35, v19;
	v49 =	vmax.u32 v37, v21  }
0x24: {  	v50 =	vmax.u32 v40, v23;
	v16 =	vmin.u32 v40, v23;
	v51 =	vmax.u32 v43, v25  }
0x25: {  	v34 =	vmax.u32 v17, v10;
	v10 =	vmin.u32 v17, v10;
	v18 =	vmax.u32 v9, v11  }
0x26: {  	v9 =	vmin.u32 v9, v11;
	v11 =	vmax.u32 v32, v33;
	v12 =	vmin.u32 v32, v33  }
0x27: {  	v36 =	vmax.u32 v13, v15;
	v13 =	vmin.u32 v13, v15;
	v17 =	vmin.u32 v35, v19  }
0x28: {  	v15 =	vmin.u32 v37, v21;
	v52 =	vmax.u32 v48, v49;
	v19 =	vmin.u32 v48, v49  }
0x29: {  	v54 =	vmax.u32 v50, v51;
	v21 =	vmin.u32 v50, v51;
	v20 =	vmax.u32 v18, v10  }
0x2a: {  	v10 =	vmin.u32 v18, v10;
	v38 =	vmax.u32 v36, v12;
	v12 =	vmin.u32 v36, v12  }
0x2b: {  	v39 =	vmax.u32 v34, v11;
	v11 =	vmin.u32 v34, v11;
	v22 =	vmax.u32 v9, v13  }
0x2c: {  	v9 =	vmin.u32 v9, v13;
	v53 =	vmax.u32 v17, v15;
	v15 =	vmin.u32 v17, v15  }
0x2d: {  	v58 =	vmax.u32 v52, v54;
	v17 =	vmin.u32 v52, v54;
	v41 =	vmax.u32 v20, v38  }
0x2e: {  	v18 =	vmin.u32 v20, v38;
	v42 =	vmax.u32 v10, v12;
	v10 =	vmin.u32 v10, v12  }
0x2f: {  	v27 =	vld [tilespmem:s15+$0x6080];
	v12 =	vmin.u32 v43, v25;
	v56 =	vmax.u32 v53, v19;
	v19 =	vmin.u32 v53, v19  }
0x30: {  	v35 =	vld [tilespmem:s15+$0x4100];
	v9 =	vmax.u32 v9, v58;
	v24 =	vmax.u32 v41, v11;
	v11 =	vmin.u32 v41, v11  }
0x31: {  	v37 =	vld [tilespmem:s15+$0x4180];
	v44 =	vmax.u32 v22, v10;
	v10 =	vmin.u32 v22, v10;
	v55 =	vmax.u32 v16, v12  }
0x32: {  	v50 =	vld [tilespmem:s15+$0x6000];
	v12 =	vmin.u32 v16, v12;
	v45 =	vmin.u32 v42, v11;
	v26 =	vmax.u32 v44, v18  }
0x33: {  	v11 =	vmax.u32 v42, v11;
	v13 =	vmin.u32 v44, v18;
	v57 =	vmax.u32 v55, v21  }
0x34: {  	v21 =	vmin.u32 v55, v21;
	v59 =	vmax.u32 v15, v12;
	v12 =	vmin.u32 v15, v12  }
0x35: {  	v46 =	vmax.u32 v26, v45;
	v47 =	vmin.u32 v26, v45;
	v60 =	vmax.u32 v56, v57  }
0x36: {  	v32 =	vld [tilespmem:s15+$0x4000];
	v16 =	vmin.u32 v56, v57;
	v61 =	vmax.u32 v19, v21;
	v19 =	vmin.u32 v19, v21  }
0x37: {  	v33 =	vld [tilespmem:s15+$0x4080];
	v12 =	vmax.u32 v39, v12;
	v14 =	vmin.u32 v35, v37;
	v18 =	vmin.u32 v50, v27  }
0x38: {  	v62 =	vmax.u32 v60, v17;
	v15 =	vmin.u32 v60, v17;
	v63 =	vmax.u32 v59, v19  }
0x39: {  	v40 =	vld [tilespmem:s15+$0x4280];
	v19 =	vmin.u32 v59, v19;
	v28 =	vmax.u32 v61, v15;
	v15 =	vmin.u32 v61, v15  }
0x3a: {  	v38 =	vld [tilespmem:s15+$0x4200];
	v29 =	vmax.u32 v63, v16;
	v16 =	vmin.u32 v63, v16;
	v31 =	vmax.u32 v24, v19  }
0x3b: {  	v10 =	vmax.u32 v10, v62;
	v30 =	vmax.u32 v29, v15;
	v15 =	vmin.u32 v29, v15  }
0x3c: {  	v43 =	vld [tilespmem:s15+$0x4300];
	v11 =	vmax.u32 v11, v16;
	v13 =	vmax.u32 v13, v28;
	v16 =	vmin.u32 v32, v33  }
0x3d: {  	v45 =	vld [tilespmem:s15+$0x4380];
	v15 =	vmax.u32 v46, v15;
	v17 =	vmax.u32 v47, v30;
	v36 =	vmax.u32 v31, v13  }
0x3e: {  	v13 =	vmin.u32 v31, v13;
	v21 =	vmax.u32 v11, v10;
	v10 =	vmin.u32 v11, v10  }
0x3f: {  	v46 =	vmax.u32 v35, v37;
	v47 =	vmax.u32 v38, v40;
	v51 =	vmax.u32 v16, v14  }
0x40: {  	v14 =	vmin.u32 v16, v14;
	v37 =	vmax.u32 v50, v27;
	v34 =	vmax.u32 v12, v17  }
0x41: {  	v12 =	vmin.u32 v12, v17;
	v11 =	vmax.u32 v15, v9;
	v9 =	vmin.u32 v15, v9  }
0x42: {  	v48 =	vmax.u32 v43, v45;
	v39 =	vmax.u32 v34, v21;
	v19 =	vmin.u32 v34, v21  }
0x43: {  	v41 =	vmax.u32 v36, v11;
	v11 =	vmin.u32 v36, v11;
	v42 =	vmax.u32 v12, v10  }
0x44: {  	v10 =	vmin.u32 v12, v10;
	v44 =	vmax.u32 v13, v9;
	v9 =	vmin.u32 v13, v9  }
0x45: {  	v21 =	vmin.u32 v38, v40;
	v13 =	vmin.u32 v43, v45;
	v52 =	vmax.u32 v47, v48  }
0x46: {  	v54 =	vld [tilespmem:s15+$0x6100];
	v20 =	vmin.u32 v47, v48;
	v25 =	vmax.u32 v39, v41;
	v15 =	vmin.u32 v39, v41  }
0x47: {  	v29 =	vld [tilespmem:s15+$0x6180];
	v23 =	vmax.u32 v19, v11;
	v11 =	vmin.u32 v19, v11;
	v19 =	vmax.u32 v42, v44  }
0x48: {  	v57 =	vld [tilespmem:s15+$0x6200];
	v12 =	vmin.u32 v42, v44;
	v17 =	vmax.u32 v10, v9;
	v9 =	vmin.u32 v10, v9  }
0x49: {  	v31 =	vld [tilespmem:s15+$0x6280];
	v10 =	vmax.u32 v32, v33;
	v53 =	vmax.u32 v21, v13;
	v13 =	vmin.u32 v21, v13  }
0x4a: {  	v49 =	vmax.u32 v10, v46;
	v10 =	vmin.u32 v10, v46;
	v55 =	vmax.u32 v53, v20  }
0x4b: {  	v20 =	vmin.u32 v53, v20;
	v30 =	vmax.u32 v14, v13;
	v13 =	vmin.u32 v14, v13  }
0x4c: {  	v38 =	vmax.u32 v54, v29;
	v21 =	vmin.u32 v54, v29;
	v28 =	vmax.u32 v51, v10  }
0x4d: {  	v10 =	vmin.u32 v51, v10;
	v56 =	vmax.u32 v49, v52;
	v16 =	vmin.u32 v49, v52  }
0x4e: {  	v60 =	vld [tilespmem:s15+$0x6300];
	v39 =	vmax.u32 v57, v31;
	v24 =	vmin.u32 v57, v31;
	v41 =	vmax.u32 v37, v38  }
0x4f: {  	v33 =	vld [tilespmem:s15+$0x6380];
	v27 =	vmin.u32 v37, v38;
	v42 =	vmax.u32 v18, v21;
	v18 =	vmin.u32 v18, v21  }
0x50: {  	v58 =	vmax.u32 v28, v55;
	v26 =	vmin.u32 v28, v55;
	v59 =	vmax.u32 v10, v20  }
0x51: {  	v10 =	vmin.u32 v10, v20;
	v45 =	vmax.u32 v42, v27;
	v27 =	vmin.u32 v42, v27  }
0x52: {  	v32 =	vmax.u32 v58, v16;
	v14 =	vmin.u32 v58, v16;
	v61 =	vmax.u32 v30, v10  }
0x53: {  	v10 =	vmin.u32 v30, v10;
	v62 =	vmin.u32 v59, v14;
	v34 =	vmax.u32 v61, v26  }
0x54: {  	v14 =	vmax.u32 v59, v14;
	v16 =	vmin.u32 v61, v26;
	v40 =	vmax.u32 v60, v33  }
0x55: {  	v20 =	vmin.u32 v60, v33;
	v63 =	vmax.u32 v34, v62;
	v36 =	vmin.u32 v34, v62  }
0x56: {  	v43 =	vmax.u32 v39, v40;
	v29 =	vmin.u32 v39, v40;
	v44 =	vmax.u32 v24, v20  }
0x57: {  	v20 =	vmin.u32 v24, v20;
	v46 =	vmax.u32 v44, v29;
	v29 =	vmin.u32 v44, v29  }
0x58: {  	v47 =	vmax.u32 v41, v43;
	v21 =	vmin.u32 v41, v43;
	v48 =	vmax.u32 v18, v20  }
0x59: {  	v18 =	vmin.u32 v18, v20;
	v49 =	vmax.u32 v45, v46;
	v24 =	vmin.u32 v45, v46  }
0x5a: {  	v50 =	vmax.u32 v27, v29;
	v27 =	vmin.u32 v27, v29;
	v18 =	vmax.u32 v56, v18  }
0x5b: {  	v38 =	vld [tilespmem:s15+$0x8100];
	v13 =	vmax.u32 v13, v47;
	v51 =	vmax.u32 v49, v21;
	v20 =	vmin.u32 v49, v21  }
0x5c: {  	v41 =	vld [tilespmem:s15+$0x8180];
	v52 =	vmax.u32 v48, v27;
	v27 =	vmin.u32 v48, v27;
	v53 =	vmax.u32 v50, v20  }
0x5d: {  	v43 =	vld [tilespmem:s15+$0x8200];
	v20 =	vmin.u32 v50, v20;
	v54 =	vmax.u32 v52, v24;
	v21 =	vmin.u32 v52, v24  }
0x5e: {  	v45 =	vld [tilespmem:s15+$0x8280];
	v56 =	vmax.u32 v32, v27;
	v10 =	vmax.u32 v10, v51;
	v55 =	vmax.u32 v54, v20  }
0x5f: {  	v20 =	vmin.u32 v54, v20;
	v14 =	vmax.u32 v14, v21;
	v16 =	vmax.u32 v16, v53  }
0x60: {  	v20 =	vmax.u32 v63, v20;
	v57 =	vmax.u32 v36, v55;
	v58 =	vmax.u32 v56, v16  }
0x61: {  	v16 =	vmin.u32 v56, v16;
	v59 =	vmax.u32 v14, v10;
	v10 =	vmin.u32 v14, v10  }
0x62: {  	v53 =	vmax.u32 v38, v41;
	v24 =	vmax.u32 v18, v57;
	v18 =	vmin.u32 v18, v57  }
0x63: {  	v48 =	vld [tilespmem:s15+$0x8300];
	v60 =	vmax.u32 v20, v13;
	v13 =	vmin.u32 v20, v13;
	v54 =	vmax.u32 v43, v45  }
0x64: {  	v51 =	vld [tilespmem:s15+$0x8380];
	v61 =	vmax.u32 v24, v59;
	v22 =	vmin.u32 v24, v59;
	v62 =	vmax.u32 v58, v60  }
0x65: {  	v14 =	vmin.u32 v58, v60;
	v63 =	vmax.u32 v18, v10;
	v10 =	vmin.u32 v18, v10  }
0x66: {  	v28 =	vmax.u32 v16, v13;
	v13 =	vmin.u32 v16, v13;
	v29 =	vmax.u32 v61, v62  }
0x67: {  	v20 =	vmin.u32 v61, v62;
	v30 =	vmax.u32 v22, v14;
	v14 =	vmin.u32 v22, v14  }
0x68: {  	v31 =	vmax.u32 v63, v28;
	v32 =	vmin.u32 v10, v13;
	v18 =	vmin.u32 v63, v28  }
0x69: {  	v10 =	vmax.u32 v10, v13;
	v22 =	vmin.u32 v43, v45;
	v55 =	vmax.u32 v48, v51  }
0x6a: {  	v56 =	vmin.u32 v48, v51;
	v33 =	vmax.u32 v25, v32;
	v10 =	vmax.u32 v15, v10  }
0x6b: {  	v35 =	vld [tilespmem:s15+$0x8000];
	v34 =	vmax.u32 v23, v18;
	v11 =	vmax.u32 v11, v31;
	v14 =	vmax.u32 v19, v14  }
0x6c: {  	v36 =	vld [tilespmem:s15+$0x8080];
	v12 =	vmax.u32 v12, v30;
	v17 =	vmax.u32 v17, v20;
	v9 =	vmax.u32 v9, v29  }
0x6d: {  	v20 =	vmin.u32 v38, v41;
	v60 =	vmax.u32 v54, v55;
	v21 =	vmin.u32 v54, v55  }
0x6e: {  	v27 =	vmax.u32 v22, v56;
	v22 =	vmin.u32 v22, v56;
	v37 =	vmax.u32 v33, v14  }
0x6f: {  	v13 =	vmin.u32 v33, v14;
	v39 =	vmax.u32 v10, v12;
	v10 =	vmin.u32 v10, v12  }
0x70: {  	v40 =	vmax.u32 v34, v17;
	v15 =	vmin.u32 v34, v17;
	v42 =	vmax.u32 v11, v9  }
0x71: {  	v9 =	vmin.u32 v11, v9;
	v52 =	vmax.u32 v35, v36;
	v18 =	vmin.u32 v35, v36  }
0x72: {  	v35 =	vmax.u32 v27, v21;
	v21 =	vmin.u32 v27, v21;
	v11 =	vmax.u32 v37, v40  }
0x73: {  	v12 =	vmin.u32 v37, v40;
	v44 =	vmax.u32 v39, v42;
	v14 =	vmin.u32 v39, v42  }
0x74: {  	v46 =	vmax.u32 v13, v15;
	v47 =	vmin.u32 v13, v15;
	v49 =	vmax.u32 v10, v9  }
0x75: {  	v59 =	vld [tilespmem:s15+$0xA000];
	v50 =	vmin.u32 v10, v9;
	v57 =	vmax.u32 v52, v53;
	v17 =	vmin.u32 v52, v53  }
0x76: {  	v61 =	vld [tilespmem:s15+$0xA080];
	v58 =	vmax.u32 v18, v20;
	v18 =	vmin.u32 v18, v20;
	v9 =	vmax.u32 v11, v44  }
0x77: {  	v43 =	vld [tilespmem:s15+$0xA300];
	v10 =	vmin.u32 v11, v44;
	v11 =	vmax.u32 v12, v14;
	v12 =	vmin.u32 v12, v14  }
0x78: {  	v45 =	vld [tilespmem:s15+$0xA380];
	v13 =	vmax.u32 v46, v49;
	v14 =	vmin.u32 v46, v49;
	v15 =	vmax.u32 v47, v50  }
0x79: {  	v16 =	vmin.u32 v47, v50;
	v62 =	vmax.u32 v58, v17;
	v17 =	vmin.u32 v58, v17  }
0x7a: {  	v63 =	vld [tilespmem:s15+$0xA100];
	v29 =	vmax.u32 v57, v60;
	v20 =	vmin.u32 v57, v60;
	v37 =	vmax.u32 v18, v22  }
0x7b: {  	v36 =	vld [tilespmem:s15+$0xA180];
	v18 =	vmin.u32 v18, v22;
	v39 =	vmax.u32 v62, v35;
	v19 =	vmin.u32 v62, v35  }
0x7c: {  	v38 =	vld [tilespmem:s15+$0xA200];
	v41 =	vmax.u32 v17, v21;
	v17 =	vmin.u32 v17, v21;
	v49 =	vmax.u32 v59, v61  }
0x7d: {  	v40 =	vld [tilespmem:s15+$0xA280];
	v23 =	vmin.u32 v59, v61;
	v52 =	vmax.u32 v43, v45;
	v25 =	vmin.u32 v43, v45  }
0x7e: {  	v42 =	vmax.u32 v39, v20;
	v20 =	vmin.u32 v39, v20;
	v44 =	vmax.u32 v37, v17  }
0x7f: {  	v17 =	vmin.u32 v37, v17;
	v46 =	vmax.u32 v41, v20;
	v20 =	vmin.u32 v41, v20  }
0x80: {  	v47 =	vmax.u32 v44, v19;
	v19 =	vmin.u32 v44, v19;
	v50 =	vmax.u32 v63, v36  }
0x81: {  	v27 =	vmin.u32 v63, v36;
	v48 =	vmax.u32 v47, v20;
	v20 =	vmin.u32 v47, v20  }
0x82: {  	v51 =	vmax.u32 v38, v40;
	v24 =	vmin.u32 v38, v40;
	v53 =	vmax.u32 v49, v50  }
0x83: {  	v26 =	vmin.u32 v49, v50;
	v54 =	vmax.u32 v23, v27;
	v23 =	vmin.u32 v23, v27  }
0x84: {  	v55 =	vmax.u32 v51, v52;
	v28 =	vmin.u32 v51, v52;
	v56 =	vmax.u32 v24, v25  }
0x85: {  	v41 =	vld [tilespmem:s15+$0xC080];
	v24 =	vmin.u32 v24, v25;
	v57 =	vmax.u32 v54, v26;
	v26 =	vmin.u32 v54, v26  }
0x86: {  	v40 =	vld [tilespmem:s15+$0xC000];
	v58 =	vmax.u32 v56, v28;
	v28 =	vmin.u32 v56, v28;
	v59 =	vmax.u32 v53, v55  }
0x87: {  	v47 =	vld [tilespmem:s15+$0xC200];
	v27 =	vmin.u32 v53, v55;
	v60 =	vmax.u32 v23, v24;
	v23 =	vmin.u32 v23, v24  }
0x88: {  	v50 =	vld [tilespmem:s15+$0xC280];
	v61 =	vmax.u32 v57, v58;
	v25 =	vmin.u32 v57, v58;
	v62 =	vmax.u32 v26, v28  }
0x89: {  	v52 =	vld [tilespmem:s15+$0xC300];
	v26 =	vmin.u32 v26, v28;
	v23 =	vmax.u32 v29, v23;
	v18 =	vmax.u32 v18, v59  }
0x8a: {  	v54 =	vld [tilespmem:s15+$0xC380];
	v63 =	vmax.u32 v61, v27;
	v24 =	vmin.u32 v61, v27;
	v36 =	vmax.u32 v60, v26  }
0x8b: {  	v26 =	vmin.u32 v60, v26;
	v37 =	vmax.u32 v62, v24;
	v24 =	vmin.u32 v62, v24  }
0x8c: {  	v38 =	vmax.u32 v36, v25;
	v25 =	vmin.u32 v36, v25;
	v21 =	vmax.u32 v42, v26  }
0x8d: {  	v17 =	vmax.u32 v17, v63;
	v55 =	vmax.u32 v40, v41;
	v57 =	vmax.u32 v47, v50  }
0x8e: {  	v39 =	vmax.u32 v38, v24;
	v24 =	vmin.u32 v38, v24;
	v25 =	vmax.u32 v46, v25  }
0x8f: {  	v19 =	vmax.u32 v19, v37;
	v58 =	vmax.u32 v52, v54;
	v22 =	vmax.u32 v48, v24  }
0x90: {  	v20 =	vmax.u32 v20, v39;
	v43 =	vmax.u32 v21, v19;
	v19 =	vmin.u32 v21, v19  }
0x91: {  	v44 =	vmax.u32 v25, v17;
	v17 =	vmin.u32 v25, v17;
	v24 =	vmin.u32 v40, v41  }
0x92: {  	v62 =	vmax.u32 v57, v58;
	v29 =	vmin.u32 v57, v58;
	v27 =	vmax.u32 v23, v20  }
0x93: {  	v45 =	vld [tilespmem:s15+$0xC180];
	v20 =	vmin.u32 v23, v20;
	v46 =	vmax.u32 v22, v18;
	v18 =	vmin.u32 v22, v18  }
0x94: {  	v61 =	vld [tilespmem:s15+$0xE000];
	v22 =	vmin.u32 v47, v50;
	v48 =	vmax.u32 v27, v44;
	v21 =	vmin.u32 v27, v44  }
0x95: {  	v42 =	vld [tilespmem:s15+$0xC100];
	v49 =	vmax.u32 v43, v46;
	v25 =	vmin.u32 v43, v46;
	v51 =	vmax.u32 v20, v17  }
0x96: {  	v63 =	vld [tilespmem:s15+$0xE080];
	v17 =	vmin.u32 v20, v17;
	v53 =	vmax.u32 v19, v18;
	v18 =	vmin.u32 v19, v18  }
0x97: {  	v20 =	vmin.u32 v52, v54;
	v19 =	vmax.u32 v48, v49;
	v27 =	vmin.u32 v48, v49  }
0x98: {  	v30 =	vmax.u32 v21, v25;
	v21 =	vmin.u32 v21, v25;
	v25 =	vmax.u32 v51, v53  }
0x99: {  	v28 =	vmin.u32 v51, v53;
	v32 =	vmax.u32 v17, v18;
	v17 =	vmin.u32 v17, v18  }
0x9a: {  	v56 =	vmax.u32 v42, v45;
	v23 =	vmin.u32 v42, v45;
	v35 =	vmax.u32 v22, v20  }
0x9b: {  	v38 =	vld [tilespmem:s15+$0xE200];
	v20 =	vmin.u32 v22, v20;
	v52 =	vmax.u32 v61, v63;
	v31 =	vmin.u32 v61, v63  }
0x9c: {  	v47 =	vld [tilespmem:s15+$0xE280];
	v59 =	vmax.u32 v55, v56;
	v18 =	vmin.u32 v55, v56;
	v60 =	vmax.u32 v24, v23  }
0x9d: {  	v36 =	vld [tilespmem:s15+$0xE100];
	v23 =	vmin.u32 v24, v23;
	v43 =	vmax.u32 v35, v29;
	v29 =	vmin.u32 v35, v29  }
0x9e: {  	v44 =	vld [tilespmem:s15+$0xE180];
	v42 =	vmax.u32 v60, v18;
	v18 =	vmin.u32 v60, v18;
	v37 =	vmax.u32 v59, v62  }
0x9f: {  	v40 =	vld [tilespmem:s15+$0xE300];
	v24 =	vmin.u32 v59, v62;
	v45 =	vmax.u32 v23, v20;
	v20 =	vmin.u32 v23, v20  }
0xa0: {  	v49 =	vld [tilespmem:s15+$0xE380];
	v46 =	vmax.u32 v42, v43;
	v22 =	vmin.u32 v42, v43;
	v39 =	vmax.u32 v18, v29  }
0xa1: {  	v18 =	vmin.u32 v18, v29;
	v54 =	vmax.u32 v38, v47;
	v26 =	vmin.u32 v38, v47  }
0xa2: {  	v29 =	vmax.u32 v46, v24;
	v23 =	vmin.u32 v46, v24;
	v48 =	vmax.u32 v45, v18  }
0xa3: {  	v18 =	vmin.u32 v45, v18;
	v53 =	vmax.u32 v36, v44;
	v35 =	vmin.u32 v36, v44  }
0xa4: {  	v41 =	vmax.u32 v39, v23;
	v23 =	vmin.u32 v39, v23;
	v50 =	vmax.u32 v48, v22  }
0xa5: {  	v22 =	vmin.u32 v48, v22;
	v55 =	vmax.u32 v40, v49;
	v33 =	vmin.u32 v40, v49  }
0xa6: {  	v56 =	vmax.u32 v52, v53;
	v34 =	vmin.u32 v52, v53;
	v57 =	vmax.u32 v31, v35  }
0xa7: {  	v31 =	vmin.u32 v31, v35;
	v51 =	vmax.u32 v50, v23;
	v23 =	vmin.u32 v50, v23  }
0xa8: {  	v58 =	vmax.u32 v54, v55;
	v36 =	vmin.u32 v54, v55;
	v59 =	vmax.u32 v26, v33  }
0xa9: {  	v26 =	vmin.u32 v26, v33;
	v60 =	vmax.u32 v57, v34;
	v34 =	vmin.u32 v57, v34  }
0xaa: {  	v61 =	vmax.u32 v59, v36;
	v36 =	vmin.u32 v59, v36;
	v62 =	vmax.u32 v56, v58  }
0xab: {  	v35 =	vmin.u32 v56, v58;
	v63 =	vmax.u32 v31, v26;
	v26 =	vmin.u32 v31, v26  }
0xac: {  	v43 =	vmax.u32 v60, v61;
	v33 =	vmin.u32 v60, v61;
	v44 =	vmax.u32 v34, v36  }
0xad: {  	v34 =	vmin.u32 v34, v36;
	v26 =	vmax.u32 v37, v26;
	v20 =	vmax.u32 v20, v62  }
0xae: {  	v45 =	vmax.u32 v43, v35;
	v31 =	vmin.u32 v43, v35;
	v46 =	vmax.u32 v63, v34  }
0xaf: {  	v34 =	vmin.u32 v63, v34;
	v47 =	vmax.u32 v44, v31;
	v31 =	vmin.u32 v44, v31  }
0xb0: {  	v48 =	vmax.u32 v46, v33;
	v33 =	vmin.u32 v46, v33;
	v29 =	vmax.u32 v29, v34  }
0xb1: {  	v18 =	vmax.u32 v18, v45;
	v49 =	vmax.u32 v48, v31;
	v31 =	vmin.u32 v48, v31  }
0xb2: {  	v33 =	vmax.u32 v41, v33;
	v22 =	vmax.u32 v22, v47;
	v24 =	vmax.u32 v51, v31  }
0xb3: {  	v23 =	vmax.u32 v23, v49;
	v51 =	vmax.u32 v29, v22;
	v22 =	vmin.u32 v29, v22  }
0xb4: {  	v52 =	vmax.u32 v33, v18;
	v18 =	vmin.u32 v33, v18;
	v50 =	vmax.u32 v26, v23  }
0xb5: {  	v23 =	vmin.u32 v26, v23;
	v53 =	vmax.u32 v24, v20;
	v20 =	vmin.u32 v24, v20  }
0xb6: {  	v54 =	vmax.u32 v50, v52;
	v29 =	vmin.u32 v50, v52;
	v55 =	vmax.u32 v51, v53  }
0xb7: {  	v26 =	vmin.u32 v51, v53;
	v56 =	vmax.u32 v23, v18;
	v18 =	vmin.u32 v23, v18  }
0xb8: {  	v57 =	vmax.u32 v22, v20;
	v20 =	vmin.u32 v22, v20;
	v58 =	vmax.u32 v54, v55  }
0xb9: {  	v24 =	vmin.u32 v54, v55;
	v59 =	vmax.u32 v29, v26;
	v26 =	vmin.u32 v29, v26  }
0xba: {  	v60 =	vmax.u32 v56, v57;
	v61 =	vmax.u32 v18, v20;
	v18 =	vmin.u32 v18, v20  }
0xbb: {  	v62 =	vmin.u32 v56, v57;
	v18 =	vmax.u32 v19, v18;
	v63 =	vmax.u32 v27, v61  }
0xbc: {  	v20 =	vmax.u32 v30, v62;
	v21 =	vmax.u32 v21, v60;
	v30 =	vmax.u32 v25, v26  }
0xbd: {  	v31 =	vmax.u32 v28, v59;
	v24 =	vmax.u32 v32, v24;
	v17 =	vmax.u32 v17, v58  }
0xbe: {  	v32 =	vmax.u32 v18, v30;
	v18 =	vmin.u32 v18, v30;
	v33 =	vmax.u32 v63, v31  }
0xbf: {  	v19 =	vmin.u32 v63, v31;
	v34 =	vmax.u32 v20, v24;
	v20 =	vmin.u32 v20, v24  }
0xc0: {  	v35 =	vmax.u32 v21, v17;
	v17 =	vmin.u32 v21, v17;
	v36 =	vmax.u32 v32, v34  }
0xc1: {  	v22 =	vmin.u32 v32, v34;
	v37 =	vmax.u32 v33, v35;
	v23 =	vmin.u32 v33, v35  }
0xc2: {  	v38 =	vmax.u32 v18, v20;
	v18 =	vmin.u32 v18, v20;
	v39 =	vmax.u32 v19, v17  }
0xc3: {  	v17 =	vmin.u32 v19, v17;
	v40 =	vmax.u32 v36, v37;
	v21 =	vmin.u32 v36, v37  }
0xc4: {  	v41 =	vmax.u32 v22, v23;
	v22 =	vmin.u32 v22, v23;
	v42 =	vmax.u32 v38, v39  }
0xc5: {  	v20 =	vmin.u32 v38, v39;
	v43 =	vmax.u32 v18, v17;
	v17 =	vmin.u32 v18, v17  }
0xc6: {  	v9 =	vmax.u32 v9, v17;
	v10 =	vmax.u32 v10, v43;
	v11 =	vmax.u32 v11, v20  }
0xc7: {  	v12 =	vmax.u32 v12, v42;
	v13 =	vmax.u32 v13, v22;
	v14 =	vmax.u32 v14, v41  }
0xc8: {  	v15 =	vmax.u32 v15, v21;
	v16 =	vmax.u32 v16, v40;
	v17 =	vmax.u32 v9, v13  }
0xc9: {  	v9 =	vmin.u32 v9, v13;
	v44 =	vmax.u32 v10, v14;
	v10 =	vmin.u32 v10, v14  }
0xca: {  	v45 =	vmax.u32 v11, v15;
	v11 =	vmin.u32 v11, v15;
	v46 =	vmax.u32 v12, v16  }
0xcb: {  	v12 =	vmin.u32 v12, v16;
	v47 =	vmax.u32 v17, v45;
	v14 =	vmin.u32 v17, v45  }
0xcc: {  	v48 =	vmax.u32 v44, v46;
	v13 =	vmin.u32 v44, v46;
	v49 =	vmax.u32 v9, v11  }
0xcd: {  	v9 =	vmin.u32 v9, v11;
	v11 =	vmax.u32 v10, v12;
	v10 =	vmin.u32 v10, v12  }
0xce: {  	v12 =	vmax.u32 v47, v48;
	v16 =	vmin.u32 v47, v48;
	v17 =	vmax.u32 v14, v13  }
0xcf: {  	v13 =	vmin.u32 v14, v13;
	v14 =	vmax.u32 v49, v11;
	v11 =	vmin.u32 v49, v11  }
0xd0: {  	v15 =	vmax.u32 v9, v10;
	v9 =	vmin.u32 v9, v10;
	vm0 =	vgt.s32 v12, $0xFFFFFFFF  }
0xd1: {  	v10 =	vand.u32 $0xFFFFFFC0, v12;
	vm9 =	vgt.s32 v16, $0xFFFFFFFF;
	vm10 =	vgt.s32 v17, $0xFFFFFFFF  }
0xd2: {  	v52 =	vand.u32 $0xFFFFFFC0, v16;
	v53 =	vand.u32 $0xFFFFFFC0, v17;
	vm11 =	vgt.s32 v13, $0xFFFFFFFF  }
0xd3: {  	v56 =	vand.u32 $0xFFFFFFC0, v13;
	vm12 =	vgt.s32 v14, $0xFFFFFFFF;
	v50 =	vsel vm0, $0xFFFFFFFF, v1  }
0xd4: {  	v59 =	vand.u32 $0xFFFFFFC0, v14;
	v51 =	vsel vm9, $0xFFFFFFFF, v1;
	v10 =	vxor.u32 v10, v50  }
0xd5: {  	vm13 =	vgt.s32 v11, $0xFFFFFFFF;
	v18 =	vxor.u32 v52, v51;
	v58 =	vsub.f32 v10, v10  }
0xd6: {  	v61 =	vand.u32 $0xFFFFFFC0, v11;
	v54 =	vsel vm10, $0xFFFFFFFF, v1;
	v18 =	vsub.f32 v18, v10  }
0xd7: {  	vm14 =	vgt.s32 v15, $0xFFFFFFFF;
	v55 =	vxor.u32 v53, v54;
	v22 =	vmul.f32 $1.442695020e+00, v58  }
0xd8: {  	v57 =	vsel vm11, $0xFFFFFFFF, v1;
	v19 =	vsub.f32 v55, v10;
	v18 =	vmul.f32 $1.442695020e+00, v18  }
0xd9: {  	v60 =	vsel vm12, $0xFFFFFFFF, v1;
	v20 =	vxor.u32 v56, v57;
	(erf) = vpow2.f32 v22  }
0xda: {  	v26 =	vsub.f32 v20, v10;
	v63 =	vmul.f32 $1.442695020e+00, v19;
	(erf) = vpow2.f32 v18  }
0xdb: {  	v31 =	vand.u32 $0xFFFFFFC0, v15;
	v62 =	vsel vm13, $0xFFFFFFFF, v1;
	v27 =	vxor.u32 v59, v60  }
0xdc: {  	v30 =	vsub.f32 v27, v10;
	v29 =	vmul.f32 $1.442695020e+00, v26;
	(erf) = vpow2.f32 v63  }
0xdd: {  	vm15 =	vgt.s32 v9, $0xFFFFFFFF;
	v32 =	vsel vm14, $0xFFFFFFFF, v1;
	v28 =	vxor.u32 v61, v62  }
0xde: {  	v34 =	vsub.f32 v28, v10;
	v33 =	vmul.f32 $1.442695020e+00, v30;
	(erf) = vpow2.f32 v29  }
0xdf: {  	v35 =	vand.u32 $0xFFFFFFC0, v9;
	v36 =	vsel vm15, $0xFFFFFFFF, v1;
	v20 =	vxor.u32 v31, v32  }
0xe0: {  	v38 =	vsub.f32 v20, v10;
	v37 =	vmul.f32 $1.442695020e+00, v34;
	(erf) = vpow2.f32 v33  }
0xe1: {  	v39 =	vxor.u32 v35, v36  }
0xe2: {  	v10 =	vsub.f32 v39, v10;
	v41 =	vmul.f32 $1.442695020e+00, v38;
	v40 =	vpop (erf);
	(erf) = vpow2.f32 v37  }
0xe3: {  	v42 =	vpop (erf)  }
0xe4: {  	v10 =	vmul.f32 $1.442695020e+00, v10;
	(erf) = vpow2.f32 v41;
	v43 =	vadd.f32 v42, v40  }
0xe5: {  	v44 =	vpop (erf)  }
0xe6: {  	(erf) = vpow2.f32 v10;
	v10 =	vadd.f32 v43, v44  }
0xe7: {  	v45 =	vpop (erf)  }
0xe8: {  	v10 =	vadd.f32 v10, v45  }
0xe9: {  	v46 =	vpop (erf)  }
0xea: {  	v10 =	vadd.f32 v10, v46  }
0xeb: {  	v47 =	vpop (erf)  }
0xec: {  	v10 =	vadd.f32 v10, v47  }
0xed: {  	v48 =	vpop (erf)  }
0xee: {  	v10 =	vadd.f32 v10, v48  }
0xef: {  	v49 =	vpop (erf)  }
0xf0: {  	v10 =	vadd.f32 v10, v49;
	_ =	sdelay $0x1  }
0xf1: {  	(erf) = vrcp.f32 v10;
	_ =	sdelay $0x6  }
0xf2: {  	v10 =	vor.u32 s13, v0;
	_ =	sdelay $0x1  }
0xf3: {  	v51 =	vor.u32 s13, v2;
	v50 =	vpop (erf)  }
0xf4: {  	v21 =	vmul.f32 v50, v40  }
0xf5: {  	v52 =	vor.u32 s13, v3  }
0xf6: {  	v12 =	vand.u32 $0x3F, v12;
	v19 =	vmul.f32 v50, v42;
	[tilespmem:v10+s10+$0x0] =	vst.idx.msk $0xffff, v21  }
0xf7: {  	[tilespmem:v10+s11+$0x0] =	vst.idx.msk $0xffff, v12;
	v10 =	vor.u32 s13, v4  }
0xf8: {  	v53 =	vand.u32 $0x3F, v16;
	v54 =	vmul.f32 v50, v44;
	[tilespmem:v51+s10+$0x0] =	vst.idx.msk $0xffff, v19  }
0xf9: {  	v55 =	vor.u32 s13, v5;
	[tilespmem:v51+s11+$0x0] =	vst.idx.msk $0xffff, v53  }
0xfa: {  	v17 =	vand.u32 $0x3F, v17;
	v56 =	vmul.f32 v50, v45;
	[tilespmem:v52+s10+$0x0] =	vst.idx.msk $0xffff, v54  }
0xfb: {  	v57 =	vor.u32 s13, v6;
	[tilespmem:v52+s11+$0x0] =	vst.idx.msk $0xffff, v17  }
0xfc: {  	v13 =	vand.u32 $0x3F, v13;
	v58 =	vmul.f32 v50, v46;
	[tilespmem:v10+s10+$0x0] =	vst.idx.msk $0xffff, v56  }
0xfd: {  	[tilespmem:v10+s11+$0x0] =	vst.idx.msk $0xffff, v13;
	v10 =	vor.u32 s13, v7  }
0xfe: {  	v59 =	vand.u32 $0x3F, v14;
	v60 =	vmul.f32 v50, v47;
	[tilespmem:v55+s10+$0x0] =	vst.idx.msk $0xffff, v58  }
0xff: {  	v61 =	vor.u32 s13, v8;
	[tilespmem:v55+s11+$0x0] =	vst.idx.msk $0xffff, v59  }
0x100: {  	p0 =	sne.s32 s14, $0x3F0;
	v11 =	vand.u32 $0x3F, v11;
	v62 =	vmul.f32 v50, v48;
	[tilespmem:v57+s10+$0x0] =	vst.idx.msk $0xffff, v60  }
.Ltmp0:
0x101: {  	[tilespmem:v57+s11+$0x0] =	vst.idx.msk $0xffff, v11;
	(pc) =	sbr.rel @p0 .LBB2_2-.Ltmp0, $4  }
0x102: {  	v63 =	vmul.f32 v50, v49;
	v11 =	vand.u32 $0x3F, v15;
	[tilespmem:v10+s10+$0x0] =	vst.idx.msk $0xffff, v62  }
0x103: {  	[tilespmem:v10+s11+$0x0] =	vst.idx.msk $0xffff, v11  }
0x104: {  	v9 =	vand.u32 $0x3F, v9;
	[tilespmem:v61+s10+$0x0] =	vst.idx.msk $0xffff, v63  }
0x105: {  	s14 =	sadd.s32 $0x10, s14;
	s13 =	sadd.s32 $0x80, s13;
	[tilespmem:v61+s11+$0x0] =	vst.idx.msk $0xffff, v9  }
0x106: {  	[hbm4b:s4+s2] =	stream.linear.scatter [tilespmem:s10], [sflag:$0x1], $0x2000, $0x38;
	[tilespmem:$0x14000] =	vst v63  }
0x107: {  	s12 =	sadd.s32 $0x1, s12;
	_ =	swait.ge [sflag:s9], $0x2000  }
0x108: {  	p0 =	sne.s32 s12, s6;
	[sflag:s9] =	ssyncset.done $0x0  }
.Ltmp1:
0x109: {  	[sflag:s9] =	ssyncadd.s32 $0xFFFFE000;
	(pc) =	sbr.rel @p0 .LBB2_1-.Ltmp1, $4  }
0x10a: {  	[hbm4b:s5+s2] =	stream.linear.scatter [tilespmem:s11], [sflag:$0x1], $0x2000, $0x38;
	[tilespmem:$0x14000] =	vst v63  }
0x10b: {  	_ =	swait.ge [sflag:s9], $0x2000  }
0x10c: {  	[sflag:s9] =	ssyncset.done $0x0  }
0x10d: {  	[sflag:s9] =	ssyncadd.s32 $0xFFFFE000  }
0x10e: {  	_ =	sfence.sel $0x180000  }
0x10f: {  	[bflag:$0x0] =	sbarrier.arrive $0xFFFF  }
0x110: {  	p0 =	sne.s32 s1, $0x0;
	_ =	strace $0x90000047  }
0x111: {  	s0 =	sadd.s32 @!p0 $0x100000, s0;
	[bflag:$0x2] =	sbarrier.arrive $0xFFFF  }
0x112: {  	[sflag:s0] =	ssyncadd.tile.s32 @!p0 $0x1;
	_ =	shalt  }
.Lfunc_end2:
_tile_overlayer_lowered:
.L_overlay_start_2:
0x113: {  	(tag) =	ssettag $0x2  }
0x114: {  	s0 =	rddreg [dreg:$0x0];
	s2 =	stileid.u32  }
0x115: {  	s1 =	rddreg [dreg:$0x1];
	p0 =	sne.s32 s2, $0x0  }
0x116: {  	s3 =	rddreg [dreg:$0x2];
	[bflag:$0x3] =	sbarrier.arrive $0xFFFF;
	s2 =	simm.s32 @!p0 $0x1C01  }
0x117: {  	[timem:s3], [sflag:s2] =	dma.local @!p0 [hbm:s0], s1  }
0x118: {  	s0 =	simm.s32 @!p0 $0x1  }
0x119: {  	_ =	swait.ge @!p0 [sflag:s0], s1  }
0x11a: {  	s1 =	ssub.s32 @!p0 $0x0, s1;
	[sflag:s0] =	ssyncset.done @!p0 $0x0  }
0x11b: {  	[sflag:s0] =	ssyncadd.s32 @!p0 s1  }
0x11c: {  	[bflag:$0x3] =	sbarrier.arrive $0xFFFF  }
0x11d: {  	_ =	shalt  }

</sc_bundles>
